<compile_context>
chip_gen: v7x
topology: tpu7x:2x2x1
jax: 0.10.2.dev20260603
libtpu: 0.0.44.dev20260713+nightly
codegen_flags: <defaults>
</compile_context>

<pallas_src>
import functools
import math

import jax
import jax.numpy as jnp
from jax import lax
from jax.experimental import pallas as pl
from jax.experimental.pallas import tpu as pltpu
from jax.experimental.pallas import tpu_sc as plsc

VOCAB = 1000000
D_MODEL = 64
BATCH = 4096
HIST = 200

NUM_CORES = 2
NUM_SUBCORES = 16
NW = NUM_CORES * NUM_SUBCORES

LANES = 16
WPAD = 128
BBLK = BATCH // NW
HC = HIST // 8
SCALE = math.sqrt(D_MODEL)

_mesh = plsc.VectorSubcoreMesh(core_axis_name="c", subcore_axis_name="s")


@functools.partial(
    pl.kernel,
    out_type=jax.ShapeDtypeStruct((HIST, 8, NW, 8, BBLK), jnp.float32),
    mesh=_mesh,
    scratch_types=[
        pltpu.VMEM((HC, 8, BBLK), jnp.int32),
        pltpu.VMEM((BBLK, WPAD), jnp.float32),
        pltpu.VMEM((BBLK, WPAD), jnp.float32),
        pltpu.VMEM((8, 8, BBLK + 1), jnp.float32),
        pltpu.VMEM((8, 8, BBLK + 1), jnp.float32),
        pltpu.SemaphoreType.DMA,
        pltpu.SemaphoreType.DMA,
        pltpu.SemaphoreType.DMA,
        pltpu.SemaphoreType.DMA,
    ],
    compiler_params=pltpu.CompilerParams(
        use_tc_tiling_on_sc=False, needs_layout_passes=False),
)
def _emb_lookup(xq_hbm, tp_hbm, out_hbm,
                idx_v, g0, g1, s0, s1, gs0, gs1, os0, os1):
    wid = lax.axis_index("s") * NUM_CORES + lax.axis_index("c")
    gbufs, sbufs = (g0, g1), (s0, s1)
    gsems, osems = (gs0, gs1), (os0, os1)

    pltpu.sync_copy(xq_hbm.at[:, wid], idx_v)

    def gather_desc(h, b):
        hc = lax.shift_right_logical(h, 3)
        hl = lax.bitwise_and(h, 7)
        return pltpu.make_async_copy(
            tp_hbm.at[idx_v.at[hc, hl]], gbufs[b], gsems[b])

    def out_desc(h, b):
        return pltpu.make_async_copy(
            sbufs[b].at[:, :, pl.ds(0, BBLK)], out_hbm.at[h, :, wid], osems[b])

    iota = lax.iota(jnp.int32, LANES)
    tr_ids = [lax.shift_right_logical(iota + jd * LANES, 3) for jd in range(4)]
    dlo_ids = [lax.bitwise_and(iota + jd * LANES, 7) for jd in range(4)]
    zero_v = jnp.full((LANES,), 0, jnp.int32)

    gather_desc(0, 0).start()
    gather_desc(1, 1).start()

    @pl.loop(0, HIST, step=2)
    def _visit(h0):
        for b in range(2):
            h = h0 + b
            gather_desc(h, b).wait()

            @pl.when(h >= 2)
            def _():
                out_desc(h, b).wait()

            @plsc.parallel_loop(0, BBLK, unroll=2)
            def _(r):
                blo = zero_v + r
                for jd in range(4):
                    v = gbufs[b][r, pl.ds(jd * LANES, LANES)] * SCALE
                    plsc.store_scatter(
                        sbufs[b], [tr_ids[jd], dlo_ids[jd], blo], v)

            @pl.when(h + 2 < HIST)
            def _():
                gather_desc(h + 2, b).start()

            out_desc(h, b).start()

    for b in range(2):
        out_desc(HIST - 2 + b, b).wait()


def kernel(x, table):
    xq = x.T.reshape(HC, 8, NW, BBLK).transpose(0, 2, 1, 3)
    tp = jnp.pad(table, ((0, 0), (0, WPAD - D_MODEL)))
    lin = _emb_lookup(xq, tp)
    return lin.transpose(2, 4, 0, 1, 3).reshape(BATCH, HIST, D_MODEL)

# --- scband reference (transcript-rebuilt; emitter-appended) ---
"""Pipeline reference for scband-input-embeddings-23630910062879 (READ-ONLY COPY).

The authoritative reference and input builder live on the scoring server;
editing this copy changes nothing except your own understanding.
"""

import jax, jax.numpy as jnp
import numpy as np
import math

VOCAB = 1000000
D_MODEL = 64
BATCH = 4096
HIST = 200

def setup_inputs(seed: int = 0) -> dict:
    key = jax.random.key(seed)
    k_idx, k_tab = jax.random.split(key)
    x = jax.random.randint(k_idx, (BATCH, HIST), 0, VOCAB, dtype=jnp.int64)
    # nn.Embedding default init: N(0, 1)
    table = jax.random.normal(k_tab, (VOCAB, D_MODEL), dtype=jnp.float32)
    return {"x": x, "table": table}

def reference(x, table):
    scale = math.sqrt(D_MODEL)
    emb = jnp.take(table, x, axis=0)
    return emb * scale

if __name__ == "__main__":
    import jax
    _d = setup_inputs()
    print(jax.jit(kernel)(*tuple(_d.values())))

</pallas_src>

<mosaic_0001>
#map = affine_map<(d0, d1) -> (0, 0, 0, 0)>
#map1 = affine_map<(d0, d1) -> (0, 0)>
#map2 = affine_map<(d0, d1) -> (0, 0, 0, 0, 0)>
module attributes {stable_mosaic.version = 14 : i64} {
  func.func @_emb_lookup(%arg0: i32, %arg1: i32, %arg2: memref<25x32x8x128xi32, #tpu.memory_space<hbm>>, %arg3: memref<1000000x128xf32, #tpu.memory_space<hbm>>, %arg4: memref<200x8x32x8x128xf32, #tpu.memory_space<hbm>>, %arg5: memref<25x8x128xi32, #tpu.memory_space<vmem>>, %arg6: memref<128x128xf32, #tpu.memory_space<vmem>>, %arg7: memref<128x128xf32, #tpu.memory_space<vmem>>, %arg8: memref<8x8x129xf32, #tpu.memory_space<vmem>>, %arg9: memref<8x8x129xf32, #tpu.memory_space<vmem>>, %arg10: memref<!tpu.dma_semaphore, #tpu.memory_space<semaphore_mem>>, %arg11: memref<!tpu.dma_semaphore, #tpu.memory_space<semaphore_mem>>, %arg12: memref<!tpu.dma_semaphore, #tpu.memory_space<semaphore_mem>>, %arg13: memref<!tpu.dma_semaphore, #tpu.memory_space<semaphore_mem>>) attributes {dimension_semantics = [#tpu.dimension_semantics<core_parallel>, #tpu.dimension_semantics<subcore_parallel>], iteration_bounds = array<i64: 2, 16>, scalar_prefetch = 0 : i64, scratch_operands = 9 : i64, tpu.core_type = #tpu.core_type<sc_vector_subcore>, window_params = [{transform_indices = #map}, {transform_indices = #map1}, {transform_indices = #map2}]} {
    %mul3A = arith.constant 2 : i32
    %mul3A_0 = arith.muli %arg1, %mul3A : i32
    %add3A = arith.addi %mul3A_0, %arg0 : i32
    "tpu.region"() ({
      %run_scoped3A = tpu.sem_alloc : memref<!tpu.dma_semaphore, #tpu.memory_space<semaphore_mem>>
      %dma_start3A_112 = arith.constant 0 : i32
      %dma_start3A_113 = arith.constant 0 : i32
      %dma_start3A_114 = arith.constant 0 : i32
      %dma_start3A_115 = tpu.memref_slice %arg2[%dma_start3A_112, %add3A, %dma_start3A_113, %dma_start3A_114] : memref<25x32x8x128xi32, #tpu.memory_space<hbm>> -> memref<25x1x8x128xi32, #tpu.memory_space<hbm>>
      %dma_start3A_116 = tpu.memref_squeeze %dma_start3A_115 : memref<25x1x8x128xi32, #tpu.memory_space<hbm>> -> memref<25x8x128xi32, #tpu.memory_space<hbm>>
      %dma_start3A_117 = arith.constant 0 : i32
      %dma_start3A_118 = arith.constant 0 : i32
      %dma_start3A_119 = arith.constant 0 : i32
      %dma_start3A_120 = tpu.memref_slice %arg2[%dma_start3A_117, %add3A, %dma_start3A_118, %dma_start3A_119] : memref<25x32x8x128xi32, #tpu.memory_space<hbm>> -> memref<25x1x8x128xi32, #tpu.memory_space<hbm>>
      %dma_start3A_121 = tpu.memref_squeeze %dma_start3A_120 : memref<25x1x8x128xi32, #tpu.memory_space<hbm>> -> memref<25x8x128xi32, #tpu.memory_space<hbm>>
      tpu.enqueue_dma source(%dma_start3A_121 : memref<25x8x128xi32, #tpu.memory_space<hbm>>) target(%arg5 : memref<25x8x128xi32, #tpu.memory_space<vmem>>) target_semaphore(%run_scoped3A : memref<!tpu.dma_semaphore, #tpu.memory_space<semaphore_mem>>)
      %dma_wait3A_122 = arith.constant 0 : i32
      %dma_wait3A_123 = arith.constant 0 : i32
      %dma_wait3A_124 = arith.constant 0 : i32
      %dma_wait3A_125 = tpu.memref_slice %arg2[%dma_wait3A_122, %add3A, %dma_wait3A_123, %dma_wait3A_124] : memref<25x32x8x128xi32, #tpu.memory_space<hbm>> -> memref<25x1x8x128xi32, #tpu.memory_space<hbm>>
      %dma_wait3A_126 = tpu.memref_squeeze %dma_wait3A_125 : memref<25x1x8x128xi32, #tpu.memory_space<hbm>> -> memref<25x8x128xi32, #tpu.memory_space<hbm>>
      %dma_wait3A_127 = arith.constant 0 : i32
      %dma_wait3A_128 = arith.constant 0 : i32
      %dma_wait3A_129 = arith.constant 0 : i32
      %dma_wait3A_130 = tpu.memref_slice %arg2[%dma_wait3A_127, %add3A, %dma_wait3A_128, %dma_wait3A_129] : memref<25x32x8x128xi32, #tpu.memory_space<hbm>> -> memref<25x1x8x128xi32, #tpu.memory_space<hbm>>
      %dma_wait3A_131 = tpu.memref_squeeze %dma_wait3A_130 : memref<25x1x8x128xi32, #tpu.memory_space<hbm>> -> memref<25x8x128xi32, #tpu.memory_space<hbm>>
      tpu.wait_dma2 semaphore(%run_scoped3A : memref<!tpu.dma_semaphore, #tpu.memory_space<semaphore_mem>>) src(%dma_wait3A_131 : memref<25x8x128xi32, #tpu.memory_space<hbm>>) dst(%arg5 : memref<25x8x128xi32, #tpu.memory_space<vmem>>)
      tpu.yield
    }) : () -> ()
    %iota3A = tpu.iota {dimensions = array<i32: 0>} : vector<16xi32>
    %add3A_1 = arith.constant 0 : i32
    %add3A_2 = vector.broadcast %add3A_1 : i32 to vector<16xi32>
    %add3A_3 = arith.addi %iota3A, %add3A_2 : vector<16xi32>
    %shift_right_logical3A = arith.constant 3 : i32
    %shift_right_logical3A_4 = vector.broadcast %shift_right_logical3A : i32 to vector<16xi32>
    %shift_right_logical3A_5 = arith.shrui %add3A_3, %shift_right_logical3A_4 : vector<16xi32>
    %add3A_6 = arith.constant 16 : i32
    %add3A_7 = vector.broadcast %add3A_6 : i32 to vector<16xi32>
    %add3A_8 = arith.addi %iota3A, %add3A_7 : vector<16xi32>
    %shift_right_logical3A_9 = arith.constant 3 : i32
    %shift_right_logical3A_10 = vector.broadcast %shift_right_logical3A_9 : i32 to vector<16xi32>
    %shift_right_logical3A_11 = arith.shrui %add3A_8, %shift_right_logical3A_10 : vector<16xi32>
    %add3A_12 = arith.constant 32 : i32
    %add3A_13 = vector.broadcast %add3A_12 : i32 to vector<16xi32>
    %add3A_14 = arith.addi %iota3A, %add3A_13 : vector<16xi32>
    %shift_right_logical3A_15 = arith.constant 3 : i32
    %shift_right_logical3A_16 = vector.broadcast %shift_right_logical3A_15 : i32 to vector<16xi32>
    %shift_right_logical3A_17 = arith.shrui %add3A_14, %shift_right_logical3A_16 : vector<16xi32>
    %add3A_18 = arith.constant 48 : i32
    %add3A_19 = vector.broadcast %add3A_18 : i32 to vector<16xi32>
    %add3A_20 = arith.addi %iota3A, %add3A_19 : vector<16xi32>
    %shift_right_logical3A_21 = arith.constant 3 : i32
    %shift_right_logical3A_22 = vector.broadcast %shift_right_logical3A_21 : i32 to vector<16xi32>
    %shift_right_logical3A_23 = arith.shrui %add3A_20, %shift_right_logical3A_22 : vector<16xi32>
    %add3A_24 = arith.constant 0 : i32
    %add3A_25 = vector.broadcast %add3A_24 : i32 to vector<16xi32>
    %add3A_26 = arith.addi %iota3A, %add3A_25 : vector<16xi32>
    %and3A = arith.constant 7 : i32
    %and3A_27 = vector.broadcast %and3A : i32 to vector<16xi32>
    %and3A_28 = arith.andi %add3A_26, %and3A_27 : vector<16xi32>
    %add3A_29 = arith.constant 16 : i32
    %add3A_30 = vector.broadcast %add3A_29 : i32 to vector<16xi32>
    %add3A_31 = arith.addi %iota3A, %add3A_30 : vector<16xi32>
    %and3A_32 = arith.constant 7 : i32
    %and3A_33 = vector.broadcast %and3A_32 : i32 to vector<16xi32>
    %and3A_34 = arith.andi %add3A_31, %and3A_33 : vector<16xi32>
    %add3A_35 = arith.constant 32 : i32
    %add3A_36 = vector.broadcast %add3A_35 : i32 to vector<16xi32>
    %add3A_37 = arith.addi %iota3A, %add3A_36 : vector<16xi32>
    %and3A_38 = arith.constant 7 : i32
    %and3A_39 = vector.broadcast %and3A_38 : i32 to vector<16xi32>
    %and3A_40 = arith.andi %add3A_37, %and3A_39 : vector<16xi32>
    %add3A_41 = arith.constant 48 : i32
    %add3A_42 = vector.broadcast %add3A_41 : i32 to vector<16xi32>
    %add3A_43 = arith.addi %iota3A, %add3A_42 : vector<16xi32>
    %and3A_44 = arith.constant 7 : i32
    %and3A_45 = vector.broadcast %and3A_44 : i32 to vector<16xi32>
    %and3A_46 = arith.andi %add3A_43, %and3A_45 : vector<16xi32>
    %broadcast_in_dim3A = arith.constant 0 : i32
    %broadcast_in_dim3A_47 = vector.broadcast %broadcast_in_dim3A : i32 to vector<16xi32>
    %shift_right_logical3A_48 = arith.constant 0 : i32
    %shift_right_logical3A_49 = arith.constant 3 : i32
    %shift_right_logical3A_50 = arith.shrui %shift_right_logical3A_48, %shift_right_logical3A_49 : i32
    %and3A_51 = arith.constant 0 : i32
    %and3A_52 = arith.constant 7 : i32
    %and3A_53 = arith.andi %and3A_51, %and3A_52 : i32
    %dma_start3A = arith.constant 0 : i32
    %dma_start3A_54 = tpu.memref_slice %arg5[%shift_right_logical3A_50, %and3A_53, %dma_start3A] : memref<25x8x128xi32, #tpu.memory_space<vmem>> -> memref<1x1x128xi32, #tpu.memory_space<vmem>>
    %dma_start3A_55 = tpu.memref_squeeze %dma_start3A_54 : memref<1x1x128xi32, #tpu.memory_space<vmem>> -> memref<128xi32, #tpu.memory_space<vmem>>
    %dma_start3A_56 = arith.constant 0 : i32
    %dma_start3A_57 = arith.constant 0 : i32
    %dma_start3A_58 = tpu.memref_slice %arg3[%dma_start3A_56, %dma_start3A_57] : memref<1000000x128xf32, #tpu.memory_space<hbm>> -> memref<1000000x128xf32, #tpu.memory_space<hbm>>
    tpu.enqueue_indirect_dma source(%dma_start3A_58 : memref<1000000x128xf32, #tpu.memory_space<hbm>>) target(%arg6 : memref<128x128xf32, #tpu.memory_space<vmem>>) offsets(%dma_start3A_55 : memref<128xi32, #tpu.memory_space<vmem>>) semaphore(%arg10 : memref<!tpu.dma_semaphore, #tpu.memory_space<semaphore_mem>>)
    %shift_right_logical3A_59 = arith.constant 1 : i32
    %shift_right_logical3A_60 = arith.constant 3 : i32
    %shift_right_logical3A_61 = arith.shrui %shift_right_logical3A_59, %shift_right_logical3A_60 : i32
    %and3A_62 = arith.constant 1 : i32
    %and3A_63 = arith.constant 7 : i32
    %and3A_64 = arith.andi %and3A_62, %and3A_63 : i32
    %dma_start3A_65 = arith.constant 0 : i32
    %dma_start3A_66 = tpu.memref_slice %arg5[%shift_right_logical3A_61, %and3A_64, %dma_start3A_65] : memref<25x8x128xi32, #tpu.memory_space<vmem>> -> memref<1x1x128xi32, #tpu.memory_space<vmem>>
    %dma_start3A_67 = tpu.memref_squeeze %dma_start3A_66 : memref<1x1x128xi32, #tpu.memory_space<vmem>> -> memref<128xi32, #tpu.memory_space<vmem>>
    %dma_start3A_68 = arith.constant 0 : i32
    %dma_start3A_69 = arith.constant 0 : i32
    %dma_start3A_70 = tpu.memref_slice %arg3[%dma_start3A_68, %dma_start3A_69] : memref<1000000x128xf32, #tpu.memory_space<hbm>> -> memref<1000000x128xf32, #tpu.memory_space<hbm>>
    tpu.enqueue_indirect_dma source(%dma_start3A_70 : memref<1000000x128xf32, #tpu.memory_space<hbm>>) target(%arg7 : memref<128x128xf32, #tpu.memory_space<vmem>>) offsets(%dma_start3A_67 : memref<128xi32, #tpu.memory_space<vmem>>) semaphore(%arg11 : memref<!tpu.dma_semaphore, #tpu.memory_space<semaphore_mem>>)
    %scan3A = arith.constant 0 : i32
    %scan3A_71 = arith.constant 100 : i32
    %scan3A_72 = arith.addi %scan3A, %scan3A_71 : i32
    %scan3A_73 = arith.constant 1 : i32
    scf.for %scan3A_112 = %scan3A to %scan3A_72 step %scan3A_73  : i32 {
      %mul3A_113 = arith.constant 2 : i32
      %mul3A_114 = arith.muli %scan3A_112, %mul3A_113 : i32
      %add3A_115 = arith.constant 0 : i32
      %add3A_116 = arith.addi %add3A_115, %mul3A_114 : i32
      %add3A_117 = arith.constant 0 : i32
      %add3A_118 = arith.addi %add3A_116, %add3A_117 : i32
      %shift_right_logical3A_119 = arith.constant 3 : i32
      %shift_right_logical3A_120 = arith.shrui %add3A_118, %shift_right_logical3A_119 : i32
      %and3A_121 = arith.constant 7 : i32
      %and3A_122 = arith.andi %add3A_118, %and3A_121 : i32
      %dma_wait3A_123 = arith.constant 0 : i32
      %dma_wait3A_124 = tpu.memref_slice %arg5[%shift_right_logical3A_120, %and3A_122, %dma_wait3A_123] : memref<25x8x128xi32, #tpu.memory_space<vmem>> -> memref<1x1x128xi32, #tpu.memory_space<vmem>>
      %dma_wait3A_125 = tpu.memref_squeeze %dma_wait3A_124 : memref<1x1x128xi32, #tpu.memory_space<vmem>> -> memref<128xi32, #tpu.memory_space<vmem>>
      %dma_wait3A_126 = arith.constant 0 : i32
      %dma_wait3A_127 = arith.constant 0 : i32
      %dma_wait3A_128 = tpu.memref_slice %arg3[%dma_wait3A_126, %dma_wait3A_127] : memref<1000000x128xf32, #tpu.memory_space<hbm>> -> memref<1000000x128xf32, #tpu.memory_space<hbm>>
      tpu.wait_indirect_dma semaphore(%arg10 : memref<!tpu.dma_semaphore, #tpu.memory_space<semaphore_mem>>) src(%dma_wait3A_128 : memref<1000000x128xf32, #tpu.memory_space<hbm>>) dst(%arg6 : memref<128x128xf32, #tpu.memory_space<vmem>>)
      %ge3A = arith.constant 2 : i32
      %ge3A_129 = arith.cmpi sge, %add3A_118, %ge3A : i32
      %convert_element_type3A = arith.extui %ge3A_129 : i1 to i32
      %cond3A = arith.constant 0 : i32
      %cond3A_130 = arith.cmpi ne, %convert_element_type3A, %cond3A : i32
      scf.if %cond3A_130 {
        %dma_wait3A_202 = arith.constant 0 : i32
        %dma_wait3A_203 = arith.constant 0 : i32
        %dma_wait3A_204 = arith.constant 0 : i32
        %dma_wait3A_205 = tpu.memref_slice %arg8[%dma_wait3A_202, %dma_wait3A_203, %dma_wait3A_204] : memref<8x8x129xf32, #tpu.memory_space<vmem>> -> memref<8x8x128xf32, #tpu.memory_space<vmem>>
        %dma_wait3A_206 = arith.constant 0 : i32
        %dma_wait3A_207 = arith.constant 0 : i32
        %dma_wait3A_208 = arith.constant 0 : i32
        %dma_wait3A_209 = tpu.memref_slice %arg4[%add3A_118, %dma_wait3A_206, %add3A, %dma_wait3A_207, %dma_wait3A_208] : memref<200x8x32x8x128xf32, #tpu.memory_space<hbm>> -> memref<1x8x1x8x128xf32, #tpu.memory_space<hbm>>
        %dma_wait3A_210 = tpu.memref_squeeze %dma_wait3A_209 : memref<1x8x1x8x128xf32, #tpu.memory_space<hbm>> -> memref<8x8x128xf32, #tpu.memory_space<hbm>>
        %dma_wait3A_211 = arith.constant 0 : i32
        %dma_wait3A_212 = arith.constant 0 : i32
        %dma_wait3A_213 = arith.constant 0 : i32
        %dma_wait3A_214 = tpu.memref_slice %arg4[%add3A_118, %dma_wait3A_211, %add3A, %dma_wait3A_212, %dma_wait3A_213] : memref<200x8x32x8x128xf32, #tpu.memory_space<hbm>> -> memref<1x8x1x8x128xf32, #tpu.memory_space<hbm>>
        %dma_wait3A_215 = tpu.memref_squeeze %dma_wait3A_214 : memref<1x8x1x8x128xf32, #tpu.memory_space<hbm>> -> memref<8x8x128xf32, #tpu.memory_space<hbm>>
        %dma_wait3A_216 = arith.constant 0 : i32
        %dma_wait3A_217 = arith.constant 0 : i32
        %dma_wait3A_218 = arith.constant 0 : i32
        %dma_wait3A_219 = tpu.memref_slice %arg8[%dma_wait3A_216, %dma_wait3A_217, %dma_wait3A_218] : memref<8x8x129xf32, #tpu.memory_space<vmem>> -> memref<8x8x128xf32, #tpu.memory_space<vmem>>
        tpu.wait_dma2 semaphore(%arg12 : memref<!tpu.dma_semaphore, #tpu.memory_space<semaphore_mem>>) src(%dma_wait3A_219 : memref<8x8x128xf32, #tpu.memory_space<vmem>>) dst(%dma_wait3A_215 : memref<8x8x128xf32, #tpu.memory_space<hbm>>)
      } else {
      }
      %parallel_loop3A = arith.constant 0 : i32
      %parallel_loop3A_131 = arith.constant 128 : i32
      %parallel_loop3A_132 = arith.constant 1 : i32
      scf.for %parallel_loop3A_202 = %parallel_loop3A to %parallel_loop3A_131 step %parallel_loop3A_132  : i32 {
        %parallel_loop3A_203 = vector.broadcast %parallel_loop3A_202 : i32 to vector<16xi32>
        %parallel_loop3A_204 = arith.addi %broadcast_in_dim3A_47, %parallel_loop3A_203 : vector<16xi32>
        %parallel_loop3A_205 = arith.index_cast %parallel_loop3A_202 : i32 to index
        %parallel_loop3A_206 = arith.constant 0 : index
        %parallel_loop3A_207 = tpu.vector_load %arg6[%parallel_loop3A_205, %parallel_loop3A_206] {strides = array<i32>} : memref<128x128xf32, #tpu.memory_space<vmem>>, vector<16xf32>,
        %parallel_loop3A_208 = arith.constant 8.000000e+00 : f32
        %parallel_loop3A_209 = vector.broadcast %parallel_loop3A_208 : f32 to vector<16xf32>
        %parallel_loop3A_210 = arith.mulf %parallel_loop3A_207, %parallel_loop3A_209 : vector<16xf32>
        tpu.vector_store_idx %arg8[%shift_right_logical3A_5, %and3A_28, %parallel_loop3A_204], %parallel_loop3A_210 : memref<8x8x129xf32, #tpu.memory_space<vmem>>[vector<16xi32>, vector<16xi32>, vector<16xi32>], vector<16xf32>,
        %parallel_loop3A_211 = arith.index_cast %parallel_loop3A_202 : i32 to index
        %parallel_loop3A_212 = arith.constant 16 : index
        %parallel_loop3A_213 = tpu.vector_load %arg6[%parallel_loop3A_211, %parallel_loop3A_212] {strides = array<i32>} : memref<128x128xf32, #tpu.memory_space<vmem>>, vector<16xf32>,
        %parallel_loop3A_214 = arith.constant 8.000000e+00 : f32
        %parallel_loop3A_215 = vector.broadcast %parallel_loop3A_214 : f32 to vector<16xf32>
        %parallel_loop3A_216 = arith.mulf %parallel_loop3A_213, %parallel_loop3A_215 : vector<16xf32>
        tpu.vector_store_idx %arg8[%shift_right_logical3A_11, %and3A_34, %parallel_loop3A_204], %parallel_loop3A_216 : memref<8x8x129xf32, #tpu.memory_space<vmem>>[vector<16xi32>, vector<16xi32>, vector<16xi32>], vector<16xf32>,
        %parallel_loop3A_217 = arith.index_cast %parallel_loop3A_202 : i32 to index
        %parallel_loop3A_218 = arith.constant 32 : index
        %parallel_loop3A_219 = tpu.vector_load %arg6[%parallel_loop3A_217, %parallel_loop3A_218] {strides = array<i32>} : memref<128x128xf32, #tpu.memory_space<vmem>>, vector<16xf32>,
        %parallel_loop3A_220 = arith.constant 8.000000e+00 : f32
        %parallel_loop3A_221 = vector.broadcast %parallel_loop3A_220 : f32 to vector<16xf32>
        %parallel_loop3A_222 = arith.mulf %parallel_loop3A_219, %parallel_loop3A_221 : vector<16xf32>
        tpu.vector_store_idx %arg8[%shift_right_logical3A_17, %and3A_40, %parallel_loop3A_204], %parallel_loop3A_222 : memref<8x8x129xf32, #tpu.memory_space<vmem>>[vector<16xi32>, vector<16xi32>, vector<16xi32>], vector<16xf32>,
        %parallel_loop3A_223 = arith.index_cast %parallel_loop3A_202 : i32 to index
        %parallel_loop3A_224 = arith.constant 48 : index
        %parallel_loop3A_225 = tpu.vector_load %arg6[%parallel_loop3A_223, %parallel_loop3A_224] {strides = array<i32>} : memref<128x128xf32, #tpu.memory_space<vmem>>, vector<16xf32>,
        %parallel_loop3A_226 = arith.constant 8.000000e+00 : f32
        %parallel_loop3A_227 = vector.broadcast %parallel_loop3A_226 : f32 to vector<16xf32>
        %parallel_loop3A_228 = arith.mulf %parallel_loop3A_225, %parallel_loop3A_227 : vector<16xf32>
        tpu.vector_store_idx %arg8[%shift_right_logical3A_23, %and3A_46, %parallel_loop3A_204], %parallel_loop3A_228 : memref<8x8x129xf32, #tpu.memory_space<vmem>>[vector<16xi32>, vector<16xi32>, vector<16xi32>], vector<16xf32>,
      } {sc.loop_unroll_factor = 2 : i64, sc.parallel_access}
      %add3A_133 = arith.constant 2 : i32
      %add3A_134 = arith.addi %add3A_118, %add3A_133 : i32
      %lt3A = arith.constant 200 : i32
      %lt3A_135 = arith.cmpi slt, %add3A_134, %lt3A : i32
      %convert_element_type3A_136 = arith.extui %lt3A_135 : i1 to i32
      %cond3A_137 = arith.constant 0 : i32
      %cond3A_138 = arith.cmpi ne, %convert_element_type3A_136, %cond3A_137 : i32
      scf.if %cond3A_138 {
        %add3A_202 = arith.constant 2 : i32
        %add3A_203 = arith.addi %add3A_118, %add3A_202 : i32
        %shift_right_logical3A_204 = arith.constant 3 : i32
        %shift_right_logical3A_205 = arith.shrui %add3A_203, %shift_right_logical3A_204 : i32
        %and3A_206 = arith.constant 7 : i32
        %and3A_207 = arith.andi %add3A_203, %and3A_206 : i32
        %dma_start3A_208 = arith.constant 0 : i32
        %dma_start3A_209 = tpu.memref_slice %arg5[%shift_right_logical3A_205, %and3A_207, %dma_start3A_208] : memref<25x8x128xi32, #tpu.memory_space<vmem>> -> memref<1x1x128xi32, #tpu.memory_space<vmem>>
        %dma_start3A_210 = tpu.memref_squeeze %dma_start3A_209 : memref<1x1x128xi32, #tpu.memory_space<vmem>> -> memref<128xi32, #tpu.memory_space<vmem>>
        %dma_start3A_211 = arith.constant 0 : i32
        %dma_start3A_212 = arith.constant 0 : i32
        %dma_start3A_213 = tpu.memref_slice %arg3[%dma_start3A_211, %dma_start3A_212] : memref<1000000x128xf32, #tpu.memory_space<hbm>> -> memref<1000000x128xf32, #tpu.memory_space<hbm>>
        tpu.enqueue_indirect_dma source(%dma_start3A_213 : memref<1000000x128xf32, #tpu.memory_space<hbm>>) target(%arg6 : memref<128x128xf32, #tpu.memory_space<vmem>>) offsets(%dma_start3A_210 : memref<128xi32, #tpu.memory_space<vmem>>) semaphore(%arg10 : memref<!tpu.dma_semaphore, #tpu.memory_space<semaphore_mem>>)
      } else {
      }
      %dma_start3A_139 = arith.constant 0 : i32
      %dma_start3A_140 = arith.constant 0 : i32
      %dma_start3A_141 = arith.constant 0 : i32
      %dma_start3A_142 = tpu.memref_slice %arg8[%dma_start3A_139, %dma_start3A_140, %dma_start3A_141] : memref<8x8x129xf32, #tpu.memory_space<vmem>> -> memref<8x8x128xf32, #tpu.memory_space<vmem>>
      %dma_start3A_143 = arith.constant 0 : i32
      %dma_start3A_144 = arith.constant 0 : i32
      %dma_start3A_145 = arith.constant 0 : i32
      %dma_start3A_146 = tpu.memref_slice %arg4[%add3A_118, %dma_start3A_143, %add3A, %dma_start3A_144, %dma_start3A_145] : memref<200x8x32x8x128xf32, #tpu.memory_space<hbm>> -> memref<1x8x1x8x128xf32, #tpu.memory_space<hbm>>
      %dma_start3A_147 = tpu.memref_squeeze %dma_start3A_146 : memref<1x8x1x8x128xf32, #tpu.memory_space<hbm>> -> memref<8x8x128xf32, #tpu.memory_space<hbm>>
      %dma_start3A_148 = arith.constant 0 : i32
      %dma_start3A_149 = arith.constant 0 : i32
      %dma_start3A_150 = arith.constant 0 : i32
      %dma_start3A_151 = tpu.memref_slice %arg4[%add3A_118, %dma_start3A_148, %add3A, %dma_start3A_149, %dma_start3A_150] : memref<200x8x32x8x128xf32, #tpu.memory_space<hbm>> -> memref<1x8x1x8x128xf32, #tpu.memory_space<hbm>>
      %dma_start3A_152 = tpu.memref_squeeze %dma_start3A_151 : memref<1x8x1x8x128xf32, #tpu.memory_space<hbm>> -> memref<8x8x128xf32, #tpu.memory_space<hbm>>
      %dma_start3A_153 = arith.constant 0 : i32
      %dma_start3A_154 = arith.constant 0 : i32
      %dma_start3A_155 = arith.constant 0 : i32
      %dma_start3A_156 = tpu.memref_slice %arg8[%dma_start3A_153, %dma_start3A_154, %dma_start3A_155] : memref<8x8x129xf32, #tpu.memory_space<vmem>> -> memref<8x8x128xf32, #tpu.memory_space<vmem>>
      tpu.enqueue_dma source(%dma_start3A_156 : memref<8x8x128xf32, #tpu.memory_space<vmem>>) target(%dma_start3A_152 : memref<8x8x128xf32, #tpu.memory_space<hbm>>) target_semaphore(%arg12 : memref<!tpu.dma_semaphore, #tpu.memory_space<semaphore_mem>>)
      %add3A_157 = arith.constant 1 : i32
      %add3A_158 = arith.addi %add3A_116, %add3A_157 : i32
      %shift_right_logical3A_159 = arith.constant 3 : i32
      %shift_right_logical3A_160 = arith.shrui %add3A_158, %shift_right_logical3A_159 : i32
      %and3A_161 = arith.constant 7 : i32
      %and3A_162 = arith.andi %add3A_158, %and3A_161 : i32
      %dma_wait3A_163 = arith.constant 0 : i32
      %dma_wait3A_164 = tpu.memref_slice %arg5[%shift_right_logical3A_160, %and3A_162, %dma_wait3A_163] : memref<25x8x128xi32, #tpu.memory_space<vmem>> -> memref<1x1x128xi32, #tpu.memory_space<vmem>>
      %dma_wait3A_165 = tpu.memref_squeeze %dma_wait3A_164 : memref<1x1x128xi32, #tpu.memory_space<vmem>> -> memref<128xi32, #tpu.memory_space<vmem>>
      %dma_wait3A_166 = arith.constant 0 : i32
      %dma_wait3A_167 = arith.constant 0 : i32
      %dma_wait3A_168 = tpu.memref_slice %arg3[%dma_wait3A_166, %dma_wait3A_167] : memref<1000000x128xf32, #tpu.memory_space<hbm>> -> memref<1000000x128xf32, #tpu.memory_space<hbm>>
      tpu.wait_indirect_dma semaphore(%arg11 : memref<!tpu.dma_semaphore, #tpu.memory_space<semaphore_mem>>) src(%dma_wait3A_168 : memref<1000000x128xf32, #tpu.memory_space<hbm>>) dst(%arg7 : memref<128x128xf32, #tpu.memory_space<vmem>>)
      %ge3A_169 = arith.constant 2 : i32
      %ge3A_170 = arith.cmpi sge, %add3A_158, %ge3A_169 : i32
      %convert_element_type3A_171 = arith.extui %ge3A_170 : i1 to i32
      %cond3A_172 = arith.constant 0 : i32
      %cond3A_173 = arith.cmpi ne, %convert_element_type3A_171, %cond3A_172 : i32
      scf.if %cond3A_173 {
        %dma_wait3A_202 = arith.constant 0 : i32
        %dma_wait3A_203 = arith.constant 0 : i32
        %dma_wait3A_204 = arith.constant 0 : i32
        %dma_wait3A_205 = tpu.memref_slice %arg9[%dma_wait3A_202, %dma_wait3A_203, %dma_wait3A_204] : memref<8x8x129xf32, #tpu.memory_space<vmem>> -> memref<8x8x128xf32, #tpu.memory_space<vmem>>
        %dma_wait3A_206 = arith.constant 0 : i32
        %dma_wait3A_207 = arith.constant 0 : i32
        %dma_wait3A_208 = arith.constant 0 : i32
        %dma_wait3A_209 = tpu.memref_slice %arg4[%add3A_158, %dma_wait3A_206, %add3A, %dma_wait3A_207, %dma_wait3A_208] : memref<200x8x32x8x128xf32, #tpu.memory_space<hbm>> -> memref<1x8x1x8x128xf32, #tpu.memory_space<hbm>>
        %dma_wait3A_210 = tpu.memref_squeeze %dma_wait3A_209 : memref<1x8x1x8x128xf32, #tpu.memory_space<hbm>> -> memref<8x8x128xf32, #tpu.memory_space<hbm>>
        %dma_wait3A_211 = arith.constant 0 : i32
        %dma_wait3A_212 = arith.constant 0 : i32
        %dma_wait3A_213 = arith.constant 0 : i32
        %dma_wait3A_214 = tpu.memref_slice %arg4[%add3A_158, %dma_wait3A_211, %add3A, %dma_wait3A_212, %dma_wait3A_213] : memref<200x8x32x8x128xf32, #tpu.memory_space<hbm>> -> memref<1x8x1x8x128xf32, #tpu.memory_space<hbm>>
        %dma_wait3A_215 = tpu.memref_squeeze %dma_wait3A_214 : memref<1x8x1x8x128xf32, #tpu.memory_space<hbm>> -> memref<8x8x128xf32, #tpu.memory_space<hbm>>
        %dma_wait3A_216 = arith.constant 0 : i32
        %dma_wait3A_217 = arith.constant 0 : i32
        %dma_wait3A_218 = arith.constant 0 : i32
        %dma_wait3A_219 = tpu.memref_slice %arg9[%dma_wait3A_216, %dma_wait3A_217, %dma_wait3A_218] : memref<8x8x129xf32, #tpu.memory_space<vmem>> -> memref<8x8x128xf32, #tpu.memory_space<vmem>>
        tpu.wait_dma2 semaphore(%arg13 : memref<!tpu.dma_semaphore, #tpu.memory_space<semaphore_mem>>) src(%dma_wait3A_219 : memref<8x8x128xf32, #tpu.memory_space<vmem>>) dst(%dma_wait3A_215 : memref<8x8x128xf32, #tpu.memory_space<hbm>>)
      } else {
      }
      %parallel_loop3A_174 = arith.constant 0 : i32
      %parallel_loop3A_175 = arith.constant 128 : i32
      %parallel_loop3A_176 = arith.constant 1 : i32
      scf.for %parallel_loop3A_202 = %parallel_loop3A_174 to %parallel_loop3A_175 step %parallel_loop3A_176  : i32 {
        %parallel_loop3A_203 = vector.broadcast %parallel_loop3A_202 : i32 to vector<16xi32>
        %parallel_loop3A_204 = arith.addi %broadcast_in_dim3A_47, %parallel_loop3A_203 : vector<16xi32>
        %parallel_loop3A_205 = arith.index_cast %parallel_loop3A_202 : i32 to index
        %parallel_loop3A_206 = arith.constant 0 : index
        %parallel_loop3A_207 = tpu.vector_load %arg7[%parallel_loop3A_205, %parallel_loop3A_206] {strides = array<i32>} : memref<128x128xf32, #tpu.memory_space<vmem>>, vector<16xf32>,
        %parallel_loop3A_208 = arith.constant 8.000000e+00 : f32
        %parallel_loop3A_209 = vector.broadcast %parallel_loop3A_208 : f32 to vector<16xf32>
        %parallel_loop3A_210 = arith.mulf %parallel_loop3A_207, %parallel_loop3A_209 : vector<16xf32>
        tpu.vector_store_idx %arg9[%shift_right_logical3A_5, %and3A_28, %parallel_loop3A_204], %parallel_loop3A_210 : memref<8x8x129xf32, #tpu.memory_space<vmem>>[vector<16xi32>, vector<16xi32>, vector<16xi32>], vector<16xf32>,
        %parallel_loop3A_211 = arith.index_cast %parallel_loop3A_202 : i32 to index
        %parallel_loop3A_212 = arith.constant 16 : index
        %parallel_loop3A_213 = tpu.vector_load %arg7[%parallel_loop3A_211, %parallel_loop3A_212] {strides = array<i32>} : memref<128x128xf32, #tpu.memory_space<vmem>>, vector<16xf32>,
        %parallel_loop3A_214 = arith.constant 8.000000e+00 : f32
        %parallel_loop3A_215 = vector.broadcast %parallel_loop3A_214 : f32 to vector<16xf32>
        %parallel_loop3A_216 = arith.mulf %parallel_loop3A_213, %parallel_loop3A_215 : vector<16xf32>
        tpu.vector_store_idx %arg9[%shift_right_logical3A_11, %and3A_34, %parallel_loop3A_204], %parallel_loop3A_216 : memref<8x8x129xf32, #tpu.memory_space<vmem>>[vector<16xi32>, vector<16xi32>, vector<16xi32>], vector<16xf32>,
        %parallel_loop3A_217 = arith.index_cast %parallel_loop3A_202 : i32 to index
        %parallel_loop3A_218 = arith.constant 32 : index
        %parallel_loop3A_219 = tpu.vector_load %arg7[%parallel_loop3A_217, %parallel_loop3A_218] {strides = array<i32>} : memref<128x128xf32, #tpu.memory_space<vmem>>, vector<16xf32>,
        %parallel_loop3A_220 = arith.constant 8.000000e+00 : f32
        %parallel_loop3A_221 = vector.broadcast %parallel_loop3A_220 : f32 to vector<16xf32>
        %parallel_loop3A_222 = arith.mulf %parallel_loop3A_219, %parallel_loop3A_221 : vector<16xf32>
        tpu.vector_store_idx %arg9[%shift_right_logical3A_17, %and3A_40, %parallel_loop3A_204], %parallel_loop3A_222 : memref<8x8x129xf32, #tpu.memory_space<vmem>>[vector<16xi32>, vector<16xi32>, vector<16xi32>], vector<16xf32>,
        %parallel_loop3A_223 = arith.index_cast %parallel_loop3A_202 : i32 to index
        %parallel_loop3A_224 = arith.constant 48 : index
        %parallel_loop3A_225 = tpu.vector_load %arg7[%parallel_loop3A_223, %parallel_loop3A_224] {strides = array<i32>} : memref<128x128xf32, #tpu.memory_space<vmem>>, vector<16xf32>,
        %parallel_loop3A_226 = arith.constant 8.000000e+00 : f32
        %parallel_loop3A_227 = vector.broadcast %parallel_loop3A_226 : f32 to vector<16xf32>
        %parallel_loop3A_228 = arith.mulf %parallel_loop3A_225, %parallel_loop3A_227 : vector<16xf32>
        tpu.vector_store_idx %arg9[%shift_right_logical3A_23, %and3A_46, %parallel_loop3A_204], %parallel_loop3A_228 : memref<8x8x129xf32, #tpu.memory_space<vmem>>[vector<16xi32>, vector<16xi32>, vector<16xi32>], vector<16xf32>,
      } {sc.loop_unroll_factor = 2 : i64, sc.parallel_access}
      %add3A_177 = arith.constant 2 : i32
      %add3A_178 = arith.addi %add3A_158, %add3A_177 : i32
      %lt3A_179 = arith.constant 200 : i32
      %lt3A_180 = arith.cmpi slt, %add3A_178, %lt3A_179 : i32
      %convert_element_type3A_181 = arith.extui %lt3A_180 : i1 to i32
      %cond3A_182 = arith.constant 0 : i32
      %cond3A_183 = arith.cmpi ne, %convert_element_type3A_181, %cond3A_182 : i32
      scf.if %cond3A_183 {
        %add3A_202 = arith.constant 2 : i32
        %add3A_203 = arith.addi %add3A_158, %add3A_202 : i32
        %shift_right_logical3A_204 = arith.constant 3 : i32
        %shift_right_logical3A_205 = arith.shrui %add3A_203, %shift_right_logical3A_204 : i32
        %and3A_206 = arith.constant 7 : i32
        %and3A_207 = arith.andi %add3A_203, %and3A_206 : i32
        %dma_start3A_208 = arith.constant 0 : i32
        %dma_start3A_209 = tpu.memref_slice %arg5[%shift_right_logical3A_205, %and3A_207, %dma_start3A_208] : memref<25x8x128xi32, #tpu.memory_space<vmem>> -> memref<1x1x128xi32, #tpu.memory_space<vmem>>
        %dma_start3A_210 = tpu.memref_squeeze %dma_start3A_209 : memref<1x1x128xi32, #tpu.memory_space<vmem>> -> memref<128xi32, #tpu.memory_space<vmem>>
        %dma_start3A_211 = arith.constant 0 : i32
        %dma_start3A_212 = arith.constant 0 : i32
        %dma_start3A_213 = tpu.memref_slice %arg3[%dma_start3A_211, %dma_start3A_212] : memref<1000000x128xf32, #tpu.memory_space<hbm>> -> memref<1000000x128xf32, #tpu.memory_space<hbm>>
        tpu.enqueue_indirect_dma source(%dma_start3A_213 : memref<1000000x128xf32, #tpu.memory_space<hbm>>) target(%arg7 : memref<128x128xf32, #tpu.memory_space<vmem>>) offsets(%dma_start3A_210 : memref<128xi32, #tpu.memory_space<vmem>>) semaphore(%arg11 : memref<!tpu.dma_semaphore, #tpu.memory_space<semaphore_mem>>)
      } else {
      }
      %dma_start3A_184 = arith.constant 0 : i32
      %dma_start3A_185 = arith.constant 0 : i32
      %dma_start3A_186 = arith.constant 0 : i32
      %dma_start3A_187 = tpu.memref_slice %arg9[%dma_start3A_184, %dma_start3A_185, %dma_start3A_186] : memref<8x8x129xf32, #tpu.memory_space<vmem>> -> memref<8x8x128xf32, #tpu.memory_space<vmem>>
      %dma_start3A_188 = arith.constant 0 : i32
      %dma_start3A_189 = arith.constant 0 : i32
      %dma_start3A_190 = arith.constant 0 : i32
      %dma_start3A_191 = tpu.memref_slice %arg4[%add3A_158, %dma_start3A_188, %add3A, %dma_start3A_189, %dma_start3A_190] : memref<200x8x32x8x128xf32, #tpu.memory_space<hbm>> -> memref<1x8x1x8x128xf32, #tpu.memory_space<hbm>>
      %dma_start3A_192 = tpu.memref_squeeze %dma_start3A_191 : memref<1x8x1x8x128xf32, #tpu.memory_space<hbm>> -> memref<8x8x128xf32, #tpu.memory_space<hbm>>
      %dma_start3A_193 = arith.constant 0 : i32
      %dma_start3A_194 = arith.constant 0 : i32
      %dma_start3A_195 = arith.constant 0 : i32
      %dma_start3A_196 = tpu.memref_slice %arg4[%add3A_158, %dma_start3A_193, %add3A, %dma_start3A_194, %dma_start3A_195] : memref<200x8x32x8x128xf32, #tpu.memory_space<hbm>> -> memref<1x8x1x8x128xf32, #tpu.memory_space<hbm>>
      %dma_start3A_197 = tpu.memref_squeeze %dma_start3A_196 : memref<1x8x1x8x128xf32, #tpu.memory_space<hbm>> -> memref<8x8x128xf32, #tpu.memory_space<hbm>>
      %dma_start3A_198 = arith.constant 0 : i32
      %dma_start3A_199 = arith.constant 0 : i32
      %dma_start3A_200 = arith.constant 0 : i32
      %dma_start3A_201 = tpu.memref_slice %arg9[%dma_start3A_198, %dma_start3A_199, %dma_start3A_200] : memref<8x8x129xf32, #tpu.memory_space<vmem>> -> memref<8x8x128xf32, #tpu.memory_space<vmem>>
      tpu.enqueue_dma source(%dma_start3A_201 : memref<8x8x128xf32, #tpu.memory_space<vmem>>) target(%dma_start3A_197 : memref<8x8x128xf32, #tpu.memory_space<hbm>>) target_semaphore(%arg13 : memref<!tpu.dma_semaphore, #tpu.memory_space<semaphore_mem>>)
    }
    %scan3A_74 = arith.constant 100 : i32
    %dma_wait3A = arith.constant 198 : i32
    %dma_wait3A_75 = arith.constant 0 : i32
    %dma_wait3A_76 = arith.constant 0 : i32
    %dma_wait3A_77 = arith.constant 0 : i32
    %dma_wait3A_78 = tpu.memref_slice %arg8[%dma_wait3A_75, %dma_wait3A_76, %dma_wait3A_77] : memref<8x8x129xf32, #tpu.memory_space<vmem>> -> memref<8x8x128xf32, #tpu.memory_space<vmem>>
    %dma_wait3A_79 = arith.constant 0 : i32
    %dma_wait3A_80 = arith.constant 0 : i32
    %dma_wait3A_81 = arith.constant 0 : i32
    %dma_wait3A_82 = tpu.memref_slice %arg4[%dma_wait3A, %dma_wait3A_79, %add3A, %dma_wait3A_80, %dma_wait3A_81] : memref<200x8x32x8x128xf32, #tpu.memory_space<hbm>> -> memref<1x8x1x8x128xf32, #tpu.memory_space<hbm>>
    %dma_wait3A_83 = tpu.memref_squeeze %dma_wait3A_82 : memref<1x8x1x8x128xf32, #tpu.memory_space<hbm>> -> memref<8x8x128xf32, #tpu.memory_space<hbm>>
    %dma_wait3A_84 = arith.constant 0 : i32
    %dma_wait3A_85 = arith.constant 0 : i32
    %dma_wait3A_86 = arith.constant 0 : i32
    %dma_wait3A_87 = tpu.memref_slice %arg4[%dma_wait3A, %dma_wait3A_84, %add3A, %dma_wait3A_85, %dma_wait3A_86] : memref<200x8x32x8x128xf32, #tpu.memory_space<hbm>> -> memref<1x8x1x8x128xf32, #tpu.memory_space<hbm>>
    %dma_wait3A_88 = tpu.memref_squeeze %dma_wait3A_87 : memref<1x8x1x8x128xf32, #tpu.memory_space<hbm>> -> memref<8x8x128xf32, #tpu.memory_space<hbm>>
    %dma_wait3A_89 = arith.constant 0 : i32
    %dma_wait3A_90 = arith.constant 0 : i32
    %dma_wait3A_91 = arith.constant 0 : i32
    %dma_wait3A_92 = tpu.memref_slice %arg8[%dma_wait3A_89, %dma_wait3A_90, %dma_wait3A_91] : memref<8x8x129xf32, #tpu.memory_space<vmem>> -> memref<8x8x128xf32, #tpu.memory_space<vmem>>
    tpu.wait_dma2 semaphore(%arg12 : memref<!tpu.dma_semaphore, #tpu.memory_space<semaphore_mem>>) src(%dma_wait3A_92 : memref<8x8x128xf32, #tpu.memory_space<vmem>>) dst(%dma_wait3A_88 : memref<8x8x128xf32, #tpu.memory_space<hbm>>)
    %dma_wait3A_93 = arith.constant 199 : i32
    %dma_wait3A_94 = arith.constant 0 : i32
    %dma_wait3A_95 = arith.constant 0 : i32
    %dma_wait3A_96 = arith.constant 0 : i32
    %dma_wait3A_97 = tpu.memref_slice %arg9[%dma_wait3A_94, %dma_wait3A_95, %dma_wait3A_96] : memref<8x8x129xf32, #tpu.memory_space<vmem>> -> memref<8x8x128xf32, #tpu.memory_space<vmem>>
    %dma_wait3A_98 = arith.constant 0 : i32
    %dma_wait3A_99 = arith.constant 0 : i32
    %dma_wait3A_100 = arith.constant 0 : i32
    %dma_wait3A_101 = tpu.memref_slice %arg4[%dma_wait3A_93, %dma_wait3A_98, %add3A, %dma_wait3A_99, %dma_wait3A_100] : memref<200x8x32x8x128xf32, #tpu.memory_space<hbm>> -> memref<1x8x1x8x128xf32, #tpu.memory_space<hbm>>
    %dma_wait3A_102 = tpu.memref_squeeze %dma_wait3A_101 : memref<1x8x1x8x128xf32, #tpu.memory_space<hbm>> -> memref<8x8x128xf32, #tpu.memory_space<hbm>>
    %dma_wait3A_103 = arith.constant 0 : i32
    %dma_wait3A_104 = arith.constant 0 : i32
    %dma_wait3A_105 = arith.constant 0 : i32
    %dma_wait3A_106 = tpu.memref_slice %arg4[%dma_wait3A_93, %dma_wait3A_103, %add3A, %dma_wait3A_104, %dma_wait3A_105] : memref<200x8x32x8x128xf32, #tpu.memory_space<hbm>> -> memref<1x8x1x8x128xf32, #tpu.memory_space<hbm>>
    %dma_wait3A_107 = tpu.memref_squeeze %dma_wait3A_106 : memref<1x8x1x8x128xf32, #tpu.memory_space<hbm>> -> memref<8x8x128xf32, #tpu.memory_space<hbm>>
    %dma_wait3A_108 = arith.constant 0 : i32
    %dma_wait3A_109 = arith.constant 0 : i32
    %dma_wait3A_110 = arith.constant 0 : i32
    %dma_wait3A_111 = tpu.memref_slice %arg9[%dma_wait3A_108, %dma_wait3A_109, %dma_wait3A_110] : memref<8x8x129xf32, #tpu.memory_space<vmem>> -> memref<8x8x128xf32, #tpu.memory_space<vmem>>
    tpu.wait_dma2 semaphore(%arg13 : memref<!tpu.dma_semaphore, #tpu.memory_space<semaphore_mem>>) src(%dma_wait3A_111 : memref<8x8x128xf32, #tpu.memory_space<vmem>>) dst(%dma_wait3A_107 : memref<8x8x128xf32, #tpu.memory_space<hbm>>)
    return
  }
}

</mosaic_0001>

<sc_bundles>
// kernel: kernel.3.cloned.1.call-start
scs
__scs_entry_jumppad:
0x0: {  	(pc) =	sbr.rel $0x88, $3  }
0x1: {  	(tag) =	ssettag $0x0;
	lr =	simm.s32 $0x1  }
0x2: {  	[smem:$0x3F9F] =	sst lr;
	_ =	strace $0xD0000000  }
0x3: {  	_ = 	snop  }
0x4: {  	_ = 	snop  }
0x5: {  	_ = 	snop  }
0x6: {  	_ = 	snop  }
0x7: {  	_ = 	snop  }
__scs_overlays_trampoline_lowered:
0x8: {  	[smem:$0x3FAE] =	sst s0  }
0x9: {  	[smem:$0x3FAF] =	sst s1  }
0xa: {  	[smem:$0x3FB0] =	sst s2  }
0xb: {  	[smem:$0x3FB1] =	sst s3  }
0xc: {  	[smem:$0x3FB2] =	sst s4  }
0xd: {  	[smem:$0x3FB3] =	sst s5  }
0xe: {  	[smem:$0x3FB4] =	sst s6  }
0xf: {  	[smem:$0x3FB5] =	sst s7  }
0x10: {  	[smem:$0x3FB6] =	sst s8  }
0x11: {  	[smem:$0x3FB7] =	sst s9;
	s0 =	simm.s32 @!p0 $0x0  }
0x12: {  	s1 =	sld [smem:$0x3F9D];
	s0 =	simm.s32 @p0 $0x1  }
0x13: {  	[smem:$0x3FB8] =	sst s0;
	s0 =	simm.s32 @!p1 $0x0  }
0x14: {  	s2 =	sld [smem:$0x3F9C];
	s0 =	simm.s32 @p1 $0x1  }
0x15: {  	[smem:$0x3FB9] =	sst s0;
	s0 =	simm.s32 @!p2 $0x0  }
0x16: {  	s3 =	sld [smem:$0x3FDB];
	s0 =	simm.s32 @p2 $0x1  }
0x17: {  	s4 =	simm.s32 $0x1BF5;
	[smem:$0x3FBB] =	sst s0  }
0x18: {  	s0 =	sld [smem:$0x3F9E];
	_ =	swait.ge [sflag:s4], $0x0  }
0x19: {  	s7 =	sld [smem:$0x3F9F]  }
0x1a: {  	s8 =	sadd.s32 $0xFFFFE003, lr  }
0x1b: {  	s9 =	sadd.s32 $0xFFFFFEF7, lr;
	s5 =	simm.s32 $0xFFFFFFFF;
	p2 =	slt.u32 s8, $0xFFFFF086  }
0x1c: {  	p1 =	slt.u32 s9, $0xF7A;
	s5 =	simm.s32 @!p2 $0x0  }
0x1d: {  	s5 =	simm.s32 @p1 $0x1;
	p0 =	seq.s32 s7, s2  }
0x1e: {  	s7 =	smul.u32 @!p0 $0xF7A, s2;
	p2 =	seq.s32 @!p0 s5, $0x0  }
0x1f: {  	s9 =	smul.u32 $0xF7A, s1;
	s8 =	simm.s32 @!p0 $0x1BF5;
	p2 =	por !p2, p0  }
0x20: {  	[sflag:s8] =	ssyncset.s32 @!p0 $0xFFFFF086;
	s6 =	sadd.s32 @!p0 s3, s7;
	s7 =	simm.s32 @!p0 $0x108  }
0x21: {  	s3 =	sadd.s32 s3, s9;
	s6 =	sadd.s32 @!p0 $0x88, s6;
	s7 =	simm.s32 @p2 $0x1082  }
0x22: {  	[simem:s7], [sflag:s8] =	dma.local @!p0 [hbm:s6], $0xF7A  }
0x23: {  	s9 =	sor.u32 $0xD0000000, s2;
	s6 =	simm.s32 $0x108;
	_ =	swait.ge @!p0 [sflag:s8], $0x0  }
0x24: {  	s3 =	sadd.s32 $0x88, s3;
	s6 =	simm.s32 @!p1 $0x1082;
	[sflag:s4] =	ssyncset.s32 $0xFFFFF086  }
0x25: {  	[simem:s6], [sflag:s4] =	dma.local [hbm:s3], $0xF7A  }
0x26: {  	[smem:$0x3F9F] =	sst s1;
	(tag) =	ssettag s2;
	_ =	strace s9  }
0x27: {  	s1 =	sld [smem:$0x3FAF]  }
0x28: {  	s2 =	sld [smem:$0x3FB0]  }
0x29: {  	s4 =	sld [smem:$0x3FB2]  }
0x2a: {  	p0 =	seq.s32 s5, $0x0;
	s5 =	sld [smem:$0x3FB3]  }
0x2b: {  	s6 =	sld [smem:$0x3FB4]  }
0x2c: {  	s7 =	sld [smem:$0x3FB5]  }
0x2d: {  	s3 =	simm.s32 $0x108;
	s8 =	sld [smem:$0x3FB6]  }
0x2e: {  	s3 =	simm.s32 @!p0 $0x1082;
	s9 =	sld [smem:$0x3FB7]  }
0x2f: {  	lr =	sadd.s32 s0, s3;
	s0 =	sld [smem:$0x3FAE]  }
0x30: {  	s3 =	sld [smem:$0x3FB1]  }
0x31: {  	[smem:$0x3FBA] =	sst s10  }
0x32: {  	s10 =	sld [smem:$0x3FB8];
	_ =	sdelay $0x3  }
0x33: {  	p0 =	seq.s32 s10, $0x1;
	s10 =	sld [smem:$0x3FBA];
	_ =	sdelay $0x3  }
0x34: {  	[smem:$0x3FBA] =	sst s10  }
0x35: {  	s10 =	sld [smem:$0x3FB9];
	_ =	sdelay $0x3  }
0x36: {  	p1 =	seq.s32 s10, $0x1;
	s10 =	sld [smem:$0x3FBA];
	_ =	sdelay $0x3  }
0x37: {  	[smem:$0x3FBA] =	sst s10  }
0x38: {  	s10 =	sld [smem:$0x3FBB]  }
0x39: {  	_ = 	snop;
	(pc) =	sbr.ind lr, $3  }
0x3a: {  	_ = 	snop  }
0x3b: {  	_ = 	snop  }
0x3c: {  	p2 =	seq.s32 s10, $0x1;
	s10 =	sld [smem:$0x3FBA]  }
0x3d: {  	_ =	shalt  }
0x3e: {  	_ =	shalt  }
0x3f: {  	_ =	shalt  }
0x40: {  	_ =	shalt  }
0x41: {  	_ =	shalt  }
0x42: {  	_ =	shalt  }
0x43: {  	_ =	shalt  }
0x44: {  	_ =	shalt  }
0x45: {  	_ =	shalt  }
0x46: {  	_ =	shalt  }
0x47: {  	_ =	shalt  }
0x48: {  	_ =	shalt  }
0x49: {  	_ =	shalt  }
0x4a: {  	_ =	shalt  }
0x4b: {  	_ =	shalt  }
0x4c: {  	_ =	shalt  }
0x4d: {  	_ =	shalt  }
0x4e: {  	_ =	shalt  }
0x4f: {  	_ =	shalt  }
0x50: {  	_ =	shalt  }
0x51: {  	_ =	shalt  }
0x52: {  	_ =	shalt  }
0x53: {  	_ =	shalt  }
0x54: {  	_ =	shalt  }
0x55: {  	_ =	shalt  }
0x56: {  	_ =	shalt  }
0x57: {  	_ =	shalt  }
0x58: {  	_ =	shalt  }
0x59: {  	_ =	shalt  }
0x5a: {  	_ =	shalt  }
0x5b: {  	_ =	shalt  }
0x5c: {  	_ =	shalt  }
0x5d: {  	_ =	shalt  }
0x5e: {  	_ =	shalt  }
0x5f: {  	_ =	shalt  }
0x60: {  	_ =	shalt  }
0x61: {  	_ =	shalt  }
0x62: {  	_ =	shalt  }
0x63: {  	_ =	shalt  }
0x64: {  	_ =	shalt  }
0x65: {  	_ =	shalt  }
0x66: {  	_ =	shalt  }
0x67: {  	_ =	shalt  }
0x68: {  	_ =	shalt  }
0x69: {  	_ =	shalt  }
0x6a: {  	_ =	shalt  }
0x6b: {  	_ =	shalt  }
0x6c: {  	_ =	shalt  }
0x6d: {  	_ =	shalt  }
0x6e: {  	_ =	shalt  }
0x6f: {  	_ =	shalt  }
0x70: {  	_ =	shalt  }
0x71: {  	_ =	shalt  }
0x72: {  	_ =	shalt  }
0x73: {  	_ =	shalt  }
0x74: {  	_ =	shalt  }
0x75: {  	_ =	shalt  }
0x76: {  	_ =	shalt  }
0x77: {  	_ =	shalt  }
0x78: {  	_ =	shalt  }
0x79: {  	_ =	shalt  }
0x7a: {  	_ =	shalt  }
0x7b: {  	_ =	shalt  }
0x7c: {  	_ =	shalt  }
0x7d: {  	_ =	shalt  }
0x7e: {  	_ =	shalt  }
0x7f: {  	_ =	shalt  }
0x80: {  	_ =	shalt  }
0x81: {  	_ =	shalt  }
0x82: {  	_ =	shalt  }
0x83: {  	_ =	shalt  }
0x84: {  	_ =	shalt  }
0x85: {  	_ =	shalt  }
0x86: {  	_ =	shalt  }
0x87: {  	_ =	shalt  }
.Lfunc_end0:
.L_simem_size_0:
called_computation_lowered:
.L_overlay_start_0:
0x88: {  	s2 =	sld [smem:$0x3FD9]  }
0x89: {  	s3 =	sld [smem:$0x3FFE];
	_ =	sdelay $0x1  }
0x8a: {  	s1 =	srdreg.scid  }
0x8b: {  	s0 =	sand.u32 $0x1, s1  }
0x8c: {  	s17 =	sshll.u32 s0, $0xA;
	s2 =	sadd.s32 s3, s2  }
0x8d: {  	s2 =	sadd.s32 s2, s17  }
0x8e: {  	[smem:$0x3FC6] =	sst s2  }
0x8f: {  	_ = 	snop  }
0x90: {  	s2 =	sld [smem:$0x3FC9]  }
0x91: {  	s18 =	sld [smem:$0x3FD0];
	(tm) =	ssettm $0x1  }
0x92: {  	s4 =	sld [smem:$0x3FFB];
	_ =	sdelay $0x3  }
0x93: {  	_ =	strace s4  }
0x94: {  	s4 =	sld [smem:$0x3FFC];
	_ =	sdelay $0x3  }
0x95: {  	_ =	strace s4  }
0x96: {  	s4 =	sld [smem:$0x3FFD];
	_ =	sdelay $0x3  }
0x97: {  	_ =	strace s4  }
0x98: {  	_ =	strace $0x8FFFFFFF  }
0x99: {  	s19 =	sld [smem:$0x3FDB];
	_ =	sdelay $0x1  }
0x9a: {  	s5 =	simm.s32 $_scs_section_size  }
0x9b: {  	s6 =	simm.s32 $_size__tile_overlayer_lowered;
	s7 =	simm.s32 $_tile_overlayer_lowered  }
0x9c: {  	s22 =	simm.s32 $0x1BFF;
	s21 =	sshll.u32 s7, $0x1;
	s4 =	sadd.s32 s5, s19  }
0x9d: {  	s8 =	simm.s32 $0x0;
	s20 =	sshll.u32 s6, $0x1;
	s6 =	sadd.s32 s21, s4  }
0x9e: {  	[timem:s8], [sflag:s22] =	dma.local [hbm:s6], s20  }
0x9f: {  	_ =	swait.ge [sflag:s22], s20  }
0xa0: {  	s5 =	ssub.s32 $0x0, s20;
	[sflag:s22] =	ssyncset.done $0x0  }
0xa1: {  	[sflag:s22] =	ssyncadd.s32 s5;
	_ =	sdelay $0x1  }
0xa2: {  	s23 =	simm.s32 $0x1B8B  }
0xa3: {  	_ =	swait.ge [sflag:s23], $0x1  }
0xa4: {  	[sflag:s23] =	ssyncset.done $0x0  }
0xa5: {  	s25 =	simm.s32 $0x1B8E;
	s24 =	sld [smem:$0x3FFE];
	[sflag:s23] =	ssyncadd.s32 $0xFFFFFFFF  }
0xa6: {  	s26 =	simm.s32 $execute0_lowered;
	[smem:$0x3FD2] =	sst s25  }
0xa7: {  	s6 =	sshll.u32 s26, $0x1;
	_ =	strace $0x80000046;
	[dreg:$0x1] =	wrdreg $0xFFFFFFFF  }
0xa8: {  	s28 =	simm.s32 $_size_execute0_lowered;
	s4 =	sadd.s32 s4, s6;
	[dreg:$0x0] =	wrdreg $0x0  }
0xa9: {  	s6 =	sshll.u32 s28, $0x1;
	[dreg:$0x2] =	wrdreg s4  }
0xaa: {  	[dreg:$0x3] =	wrdreg s6  }
0xab: {  	[dreg:$0x4] =	wrdreg $0xC0  }
0xac: {  	_ =	task [dreg:s8], $0x5FFFF  }
0xad: {  	[dreg:$0x1] =	wrdreg $0xFFFFFFFF  }
0xae: {  	[dreg:$0x0] =	wrdreg $0x60  }
0xaf: {  	[dreg:$0x2] =	wrdreg s2  }
0xb0: {  	[dreg:$0x3] =	wrdreg s24  }
0xb1: {  	[dreg:$0x4] =	wrdreg s18  }
0xb2: {  	[dreg:$0x5] =	wrdreg $0x9  }
0xb3: {  	_ =	task.clear_ibuf [dreg:s8], $0x6FFFF;
	_ =	strace $0x90000046  }
0xb4: {  	s29 =	simm.s32 $0x9;
	_ =	strace $0x80000048  }
0xb5: {  	_ =	swait.ge [sflag:s29], $0x1  }
0xb6: {  	[sflag:s29] =	ssyncadd.s32 $0xFFFFFFFF  }
0xb7: {  	_ =	strace $0x90000048  }
0xb8: {  	_ =	sfence  }
0xb9: {  	s30 =	sld [smem:$0x0];
	_ =	sdelay $0x2  }
0xba: {  	s31 =	sshll.u32 s1, $0xD;
	s1 =	sshrl.u32 s1, $0x2  }
0xbb: {  	s3 =	sand.u32 $0x4000, s31;
	s1 =	sadd.s32 s1, s30  }
0xbc: {  	s0 =	sor.u32 s3, s0;
	s1 =	sshll.u32 s1, $0x11  }
0xbd: {  	s0 =	sor.u32 s1, s0  }
0xbe: {  	s0 =	sadd.s32 $0x8F2B, s0  }
0xbf: {  	[sflag:s0] =	ssyncadd.remote.s32 $0x1  }
0xc0: {  	_ =	sfence.sel $0xFFFF  }
0xc1: {  	[dreg:$0x0] =	wrdreg $0xFFFFFFFF;
	(pc) =	sbr.abs _section_cstart, $3  }
0xc2: {  	[dreg:$0x1] =	wrdreg $0xFFFFFFFF  }
0xc3: {  	_ =	task.clear_ibuf [dreg:s8], $0x2FFFF;
	_ =	strace $0x9FFFFFFF  }
0xc4: {  	(tm) =	ssettm $0x7FFFFFFF  }
0xc5: {  	_ =	shalt  }
tec
execute0_lowered:
.L_overlay_start_1:
0x0: {  	(tag) =	ssettag $0x1  }
0x1: {  	s0 =	rddreg [dreg:$0x0]  }
0x2: {  	s5 =	rddreg [dreg:$0x1]  }
0x3: {  	s2 =	rddreg [dreg:$0x2]  }
0x4: {  	s3 =	srdreg.scid;
	s1 =	stileid.u32;
	s9 =	simm.s32 $0x400  }
0x5: {  	s10 =	simm.s32 $0x8000;
	s11 =	simm.s32 $0x5;
	s12 =	simm.s32 $0x80  }
0x6: {  	s13 =	simm.s32 $0x6400;
	s14 =	simm.s32 $0xA400;
	s15 =	simm.s32 $0x1  }
0x7: {  	s16 =	simm.s32 $0xE400;
	s17 =	simm.s32 $0x2;
	s18 =	simm.s32 $0x10600  }
0x8: {  	s19 =	simm.s32 $0x3;
	s20 =	simm.s32 $0x4;
	s21 =	simm.s32 $0x0  }
0x9: {  	s4 =	sand.u32 $0x1, s3;
	s3 =	simm.s32 $0x0;
	s6 =	sshll.u32 s1, $0xB  }
0xa: {  	v0 =	vlaneseq.u32;
	s5 =	sadd.s32 $0xF42800, s5;
	s7 =	sshll.u32 s4, $0xA;
	s8 =	ssub.s32 $0x2, s4  }
0xb: {  	v0 =	vmul.u32 $0x88, v0;
	[smem:$0x7FF] =	sst s3;
	s4 =	sor.u32 s7, s6;
	s31 =	sshrl.u32 s8, $0x1  }
0xc: {  	_ =	strace $0x80000047;
	s7 =	sshrl.u32 s4, $0x3;
	s8 =	ssub.s32 s8, s31  }
0xd: {  	v1 =	vadd.s32 $0x880, v0;
	v2 =	vadd.s32 $0x1100, v0;
	v3 =	vadd.s32 $0x1980, v0;
	s6 =	sadd.s32 s0, s7;
	s7 =	sadd.s32 $0x8000, s2;
	s8 =	smax.u32 s8, $0x1  }
.LBB2_1:
0xe: {  	[tilespmem:s3], [sflag:$0x5] =	stream.strided.gather [hbm4b:s6+s9], $0x6400, s10, s9, $0x38;
	[tilespmem:$0x12800] =	vst v63  }
0xf: {  	_ =	swait.ge [sflag:s11], $0x6400  }
0x10: {  	[sflag:s11] =	ssyncset.done $0x0  }
0x11: {  	[sflag:s11] =	ssyncadd.s32 $0xFFFF9C00  }
0x12: {  	[tilespmem:s13], [sflag:$0x1] =	stream.indirect.gather [hbm4b:s5+s12], $0x80, s3, s12, $0xb8;
	[tilespmem:$0x12800] =	vst v63  }
0x13: {  	s22 =	simm.s32 $0x0  }
0x14: {  	[tilespmem:s14], [sflag:$0x2] =	stream.indirect.gather [hbm4b:s5+s12], $0x80, s12, s12, $0xb8;
	[tilespmem:$0x12800] =	vst v63  }
.LBB2_2:
0x15: {  	_ =	swait.ge [sflag:s15], $0x4000  }
0x16: {  	p0 =	seq.s32 s22, $0x0;
	[sflag:s15] =	ssyncset.done $0x0  }
0x17: {  	s0 =	simm.s32 @!p0 $0x3;
	[sflag:s15] =	ssyncadd.s32 $0xFFFFC000  }
0x18: {  	_ =	swait.ge @!p0 [sflag:s0], $0x2000  }
0x19: {  	[sflag:s0] =	ssyncset.done @!p0 $0x0  }
0x1a: {  	s23 =	simm.s32 $0x6480;
	s1 =	simm.s32 $0x1;
	[sflag:s0] =	ssyncadd.s32 @!p0 $0xFFFFE000  }
0x1b: {  	v4 =	vmov s1;
	v5 =	vld [tilespmem:s23+$0x0]  }
0x1c: {  	v9 =	vand.u32 $0x7F, v4  }
0x1d: {  	v4 =	vadd.s32 v0, v9  }
0x1e: {  	s24 =	simm.s32 $0x0  }
0x1f: {  	v6 =	vmov s24;
	v7 =	vld [tilespmem:s23+$0xFFFFFF80]  }
0x20: {  	v14 =	vand.u32 $0x7E, v6;
	v5 =	vmul.f32 $8.000000000e+00, v5  }
0x21: {  	s25 =	simm.s32 $0x3;
	s24 =	simm.s32 $0x6580;
	v6 =	vadd.s32 v0, v14  }
0x22: {  	v8 =	vld [tilespmem:s24+$0x0];
	[tilespmem:v4+s16+$0x0] =	vst.idx.msk $0xffff, v5;
	v4 =	vmov s25  }
0x23: {  	v4 =	vand.u32 $0x7F, v4;
	v10 =	vld [tilespmem:s23+$0x10]  }
0x24: {  	v5 =	vmul.f32 $8.000000000e+00, v7;
	v7 =	vadd.s32 v0, v4  }
0x25: {  	s26 =	simm.s32 $0x2;
	v11 =	vadd.s32 v1, v9  }
0x26: {  	v12 =	vld [tilespmem:s24+$0xFFFFFF80];
	[tilespmem:v6+s16+$0x0] =	vst.idx.msk $0xffff, v5;
	v5 =	vmov s26  }
0x27: {  	v6 =	vmul.f32 $8.000000000e+00, v8;
	v5 =	vand.u32 $0x7E, v5;
	v8 =	vld [tilespmem:s23+$0xFFFFFF90]  }
0x28: {  	s1 =	simm.s32 $0x5;
	s25 =	simm.s32 $0x6680;
	v13 =	vadd.s32 v0, v5;
	v10 =	vmul.f32 $8.000000000e+00, v10  }
0x29: {  	v15 =	vld [tilespmem:s25+$0x0];
	[tilespmem:v7+s16+$0x0] =	vst.idx.msk $0xffff, v6;
	v7 =	vadd.s32 v1, v14;
	v6 =	vmov s1  }
0x2a: {  	[tilespmem:v11+s16+$0x0] =	vst.idx.msk $0xffff, v10;
	v6 =	vand.u32 $0x7F, v6;
	v10 =	vld [tilespmem:s24+$0x10]  }
0x2b: {  	v11 =	vmul.f32 $8.000000000e+00, v12;
	v12 =	vadd.s32 v0, v6;
	v16 =	vld [tilespmem:s23+$0x20]  }
0x2c: {  	s26 =	simm.s32 $0x4;
	v17 =	vadd.s32 v1, v4;
	v8 =	vmul.f32 $8.000000000e+00, v8  }
0x2d: {  	v18 =	vadd.s32 v2, v9;
	[tilespmem:v13+s16+$0x0] =	vst.idx.msk $0xffff, v11;
	v11 =	vmov s26;
	v13 =	vld [tilespmem:s25+$0xFFFFFF80]  }
0x2e: {  	[tilespmem:v7+s16+$0x0] =	vst.idx.msk $0xffff, v8;
	v7 =	vand.u32 $0x7E, v11;
	v8 =	vmul.f32 $8.000000000e+00, v15;
	v11 =	vld [tilespmem:s24+$0xFFFFFF90]  }
0x2f: {  	s1 =	simm.s32 $0x7;
	s26 =	simm.s32 $0x6780;
	v15 =	vadd.s32 v0, v7;
	v10 =	vmul.f32 $8.000000000e+00, v10;
	v19 =	vld [tilespmem:s23+$0xFFFFFFA0]  }
0x30: {  	v20 =	vld [tilespmem:s26+$0x0];
	[tilespmem:v12+s16+$0x0] =	vst.idx.msk $0xffff, v8;
	v12 =	vadd.s32 v1, v5;
	v16 =	vmul.f32 $8.000000000e+00, v16;
	v8 =	vmov s1  }
0x31: {  	[tilespmem:v17+s16+$0x0] =	vst.idx.msk $0xffff, v10;
	v10 =	vadd.s32 v2, v14;
	v8 =	vand.u32 $0x7F, v8;
	v17 =	vld [tilespmem:s25+$0x10]  }
0x32: {  	v13 =	vmul.f32 $8.000000000e+00, v13;
	[tilespmem:v18+s16+$0x0] =	vst.idx.msk $0xffff, v16;
	v16 =	vadd.s32 v0, v8;
	v18 =	vld [tilespmem:s24+$0x20]  }
0x33: {  	v21 =	vadd.s32 v1, v6;
	s1 =	simm.s32 $0x6;
	v11 =	vmul.f32 $8.000000000e+00, v11;
	v22 =	vld [tilespmem:s23+$0x30]  }
0x34: {  	v23 =	vadd.s32 v2, v4;
	[tilespmem:v15+s16+$0x0] =	vst.idx.msk $0xffff, v13;
	v13 =	vmul.f32 $8.000000000e+00, v19;
	v15 =	vld [tilespmem:s26+$0xFFFFFF80];
	v19 =	vmov s1  }
0x35: {  	v25 =	vadd.s32 v3, v9;
	[tilespmem:v12+s16+$0x0] =	vst.idx.msk $0xffff, v11;
	v12 =	vmul.f32 $8.000000000e+00, v20;
	v24 =	vld [tilespmem:s25+$0xFFFFFF90];
	v9 =	vand.u32 $0x7E, v19  }
0x36: {  	[tilespmem:v10+s16+$0x0] =	vst.idx.msk $0xffff, v13;
	v10 =	vmul.f32 $8.000000000e+00, v17;
	v11 =	vld [tilespmem:s24+$0xFFFFFFA0];
	v17 =	vadd.s32 v0, v9  }
0x37: {  	s29 =	simm.s32 $0x6880;
	s1 =	simm.s32 $0x9;
	[tilespmem:v16+s16+$0x0] =	vst.idx.msk $0xffff, v12;
	v20 =	vmul.f32 $8.000000000e+00, v18;
	v12 =	vld [tilespmem:s23+$0xFFFFFFB0];
	v16 =	vadd.s32 v1, v7  }
0x38: {  	v19 =	vld [tilespmem:s29+$0x0];
	v13 =	vadd.s32 v2, v5;
	v18 =	vmov s1;
	[tilespmem:v21+s16+$0x0] =	vst.idx.msk $0xffff, v10;
	v26 =	vmul.f32 $8.000000000e+00, v22  }
0x39: {  	s31 =	simm.s32 $0x8;
	v14 =	vadd.s32 v3, v14;
	v10 =	vand.u32 $0x7F, v18;
	v18 =	vld [tilespmem:s26+$0x10];
	v22 =	vmul.f32 $8.000000000e+00, v15;
	[tilespmem:v23+s16+$0x0] =	vst.idx.msk $0xffff, v20  }
0x3a: {  	s30 =	simm.s32 $0xA;
	s28 =	simm.s32 $0x6880;
	s23 =	sshll.u32 s22, $0x8;
	v20 =	vadd.s32 v0, v10;
	v15 =	vld [tilespmem:s25+$0x20];
	v21 =	vmul.f32 $8.000000000e+00, v24;
	[tilespmem:v25+s16+$0x0] =	vst.idx.msk $0xffff, v26  }
.LBB2_3:
0x3b: {  	p1 =	slt.u32 s30, $0x7E;
	[tilespmem:v17+s16+$0x0] =	vst.idx.msk $0xffff, v22;
	v22 =	vadd.s32 v1, v8;
	v11 =	vmul.f32 $8.000000000e+00, v11;
	v23 =	vld [tilespmem:s24+$0x30]  }
0x3c: {  	v17 =	vmov s31;
	s31 =	smov.u32 s30;
	v24 =	vld [tilespmem:s29+$0xFFFFFF80];
	[tilespmem:v16+s16+$0x0] =	vst.idx.msk $0xffff, v21;
	v21 =	vadd.s32 v2, v6;
	v12 =	vmul.f32 $8.000000000e+00, v12  }
0x3d: {  	v27 =	vadd.s32 v3, v4;
	v4 =	vmovc v6;
	v25 =	vand.u32 $0x7E, v17;
	v16 =	vmul.f32 $8.000000000e+00, v19;
	v26 =	vld [tilespmem:s26+$0xFFFFFF90];
	[tilespmem:v13+s16+$0x0] =	vst.idx.msk $0xffff, v11  }
.Ltmp0:
0x3e: {  	v6 =	vmovc v8;
	v8 =	vmov v10;
	v17 =	vadd.s32 v0, v25;
	v13 =	vmul.f32 $8.000000000e+00, v18;
	v11 =	vld [tilespmem:s25+$0xFFFFFFA0];
	[tilespmem:v14+s16+$0x0] =	vst.idx.msk $0xffff, v12;
	(pc) =	sbr.rel @p1 .LBB2_3-.Ltmp0, $4  }
0x3f: {  	s0 =	sadd.s32 $0x1, s30;
	s29 =	sadd.s32 $0x100, s29;
	[tilespmem:v20+s16+$0x0] =	vst.idx.msk $0xffff, v16;
	v16 =	vadd.s32 v1, v9;
	v14 =	vmul.f32 $8.000000000e+00, v15;
	v12 =	vld [tilespmem:s24+$0xFFFFFFB0];
	s24 =	smov.u32 s25  }
0x40: {  	v10 =	vmov s0;
	s25 =	smov.u32 s26;
	s26 =	smov.u32 s28;
	s28 =	smov.u32 s29;
	v19 =	vld [tilespmem:s29+$0x0];
	[tilespmem:v22+s16+$0x0] =	vst.idx.msk $0xffff, v13;
	v13 =	vadd.s32 v2, v7;
	v23 =	vmul.f32 $8.000000000e+00, v23  }
0x41: {  	v10 =	vand.u32 $0x7F, v10;
	v22 =	vmul.f32 $8.000000000e+00, v24;
	v18 =	vld [tilespmem:s26+$0x10];
	[tilespmem:v21+s16+$0x0] =	vst.idx.msk $0xffff, v14;
	v14 =	vadd.s32 v3, v5;
	v5 =	vmovc v7  }
0x42: {  	s30 =	sadd.s32 $0x2, s30;
	v20 =	vadd.s32 v0, v10;
	v7 =	vmovc v9;
	v9 =	vmov v25;
	v21 =	vmul.f32 $8.000000000e+00, v26;
	v15 =	vld [tilespmem:s25+$0x20];
	[tilespmem:v27+s16+$0x0] =	vst.idx.msk $0xffff, v23  }
0x43: {  	v23 =	vmov s31;
	v24 =	vld [tilespmem:s29+$0xFFFFFF80]  }
0x44: {  	v23 =	vand.u32 $0x7E, v23  }
0x45: {  	v25 =	vadd.s32 v0, v23;
	_ =	sdelay $0x1  }
0x46: {  	v19 =	vmul.f32 $8.000000000e+00, v19  }
0x47: {  	[tilespmem:v17+s16+$0x0] =	vst.idx.msk $0xffff, v22;
	v62 =	vmul.f32 $8.000000000e+00, v24  }
0x48: {  	v22 =	vld [tilespmem:s26+$0xFFFFFF90];
	[tilespmem:v20+s16+$0x0] =	vst.idx.msk $0xffff, v19  }
0x49: {  	v63 =	vadd.s32 v1, v8;
	v20 =	vld [tilespmem:s28+$0x10];
	[tilespmem:v25+s16+$0x0] =	vst.idx.msk $0xffff, v62  }
0x4a: {  	v28 =	vadd.s32 v1, v9;
	v29 =	vld [tilespmem:s28+$0xFFFFFF90]  }
0x4b: {  	v30 =	vadd.s32 v1, v10  }
0x4c: {  	v26 =	vadd.s32 v1, v23;
	v18 =	vmul.f32 $8.000000000e+00, v18  }
0x4d: {  	[tilespmem:v16+s16+$0x0] =	vst.idx.msk $0xffff, v21;
	v31 =	vmul.f32 $8.000000000e+00, v22  }
0x4e: {  	v32 =	vld [tilespmem:s25+$0xFFFFFFA0];
	[tilespmem:v63+s16+$0x0] =	vst.idx.msk $0xffff, v18;
	v33 =	vmul.f32 $8.000000000e+00, v20  }
0x4f: {  	v34 =	vadd.s32 v2, v6;
	v35 =	vld [tilespmem:s26+$0x20];
	[tilespmem:v28+s16+$0x0] =	vst.idx.msk $0xffff, v31;
	v36 =	vmul.f32 $8.000000000e+00, v29  }
0x50: {  	v11 =	vmul.f32 $8.000000000e+00, v11;
	v37 =	vadd.s32 v2, v7;
	v38 =	vld [tilespmem:s26+$0xFFFFFFA0];
	[tilespmem:v30+s16+$0x0] =	vst.idx.msk $0xffff, v33  }
0x51: {  	v39 =	vadd.s32 v2, v8;
	v12 =	vmul.f32 $8.000000000e+00, v12;
	v40 =	vld [tilespmem:s28+$0x20];
	[tilespmem:v26+s16+$0x0] =	vst.idx.msk $0xffff, v36  }
0x52: {  	v42 =	vadd.s32 v2, v9;
	[tilespmem:v13+s16+$0x0] =	vst.idx.msk $0xffff, v11;
	v41 =	vmul.f32 $8.000000000e+00, v15;
	v43 =	vld [tilespmem:s28+$0xFFFFFFA0]  }
0x53: {  	v44 =	vld [tilespmem:s24+$0x30];
	v46 =	vadd.s32 v2, v10;
	[tilespmem:v14+s16+$0x0] =	vst.idx.msk $0xffff, v12;
	v45 =	vmul.f32 $8.000000000e+00, v32  }
0x54: {  	v49 =	vadd.s32 v2, v23;
	v47 =	vld [tilespmem:s24+$0xFFFFFFB0];
	[tilespmem:v34+s16+$0x0] =	vst.idx.msk $0xffff, v41;
	v48 =	vmul.f32 $8.000000000e+00, v35  }
0x55: {  	v4 =	vadd.s32 v3, v4;
	[tilespmem:v37+s16+$0x0] =	vst.idx.msk $0xffff, v45;
	v20 =	vld [tilespmem:s25+$0x30];
	v50 =	vmul.f32 $8.000000000e+00, v38  }
0x56: {  	v5 =	vadd.s32 v3, v5;
	v51 =	vld [tilespmem:s25+$0xFFFFFFB0];
	[tilespmem:v39+s16+$0x0] =	vst.idx.msk $0xffff, v48;
	v52 =	vmul.f32 $8.000000000e+00, v40  }
0x57: {  	v53 =	vadd.s32 v3, v6;
	v54 =	vld [tilespmem:s26+$0x30];
	[tilespmem:v42+s16+$0x0] =	vst.idx.msk $0xffff, v50;
	v55 =	vmul.f32 $8.000000000e+00, v43  }
0x58: {  	v57 =	vadd.s32 v3, v7;
	v56 =	vmul.f32 $8.000000000e+00, v44;
	v58 =	vld [tilespmem:s26+$0xFFFFFFB0];
	[tilespmem:v46+s16+$0x0] =	vst.idx.msk $0xffff, v52  }
0x59: {  	v60 =	vadd.s32 v3, v8;
	v59 =	vmul.f32 $8.000000000e+00, v47;
	v14 =	vld [tilespmem:s28+$0x30];
	[tilespmem:v49+s16+$0x0] =	vst.idx.msk $0xffff, v55  }
0x5a: {  	v61 =	vadd.s32 v3, v9;
	[tilespmem:v4+s16+$0x0] =	vst.idx.msk $0xffff, v56;
	v4 =	vmul.f32 $8.000000000e+00, v20;
	v12 =	vld [tilespmem:s28+$0xFFFFFFB0]  }
0x5b: {  	v62 =	vadd.s32 v3, v10;
	[tilespmem:v5+s16+$0x0] =	vst.idx.msk $0xffff, v59;
	v5 =	vmul.f32 $8.000000000e+00, v51  }
0x5c: {  	v63 =	vadd.s32 v3, v23;
	[tilespmem:v53+s16+$0x0] =	vst.idx.msk $0xffff, v4;
	v4 =	vmul.f32 $8.000000000e+00, v54  }
0x5d: {  	[tilespmem:v57+s16+$0x0] =	vst.idx.msk $0xffff, v5;
	v5 =	vmul.f32 $8.000000000e+00, v58  }
0x5e: {  	p1 =	seq.s32 s22, $0x63;
	[tilespmem:v60+s16+$0x0] =	vst.idx.msk $0xffff, v4;
	v4 =	vmul.f32 $8.000000000e+00, v14  }
0x5f: {  	s0 =	sadd.s32 @!p1 $0x100, s23;
	[tilespmem:v61+s16+$0x0] =	vst.idx.msk $0xffff, v5;
	v5 =	vmul.f32 $8.000000000e+00, v12  }
0x60: {  	s0 =	sand.u32 @!p1 $0xFF00, s0;
	[tilespmem:v62+s16+$0x0] =	vst.idx.msk $0xffff, v4  }
0x61: {  	s24 =	simm.s32 @!p1 $0x80;
	s25 =	simm.s32 @!p1 $0x6400;
	s26 =	sshll.u32 s22, $0x13;
	[tilespmem:v63+s16+$0x0] =	vst.idx.msk $0xffff, v5  }
0x62: {  	[tilespmem:s25], [sflag:$0x1] =	stream.indirect.gather @!p1 [hbm4b:s5+s24], $0x80, s0, s24, $0xb8;
	[tilespmem:$0x12800] =	vst v63  }
0x63: {  	s0 =	sor.u32 s4, s26  }
0x64: {  	s24 =	sshrl.u32 s0, $0x3  }
0x65: {  	s30 =	simm.s32 $0xE400;
	s26 =	sadd.s32 s2, s24  }
0x66: {  	[hbm4b:s26+s3] =	stream.linear.scatter [tilespmem:s30], [sflag:$0x3], $0x80, $0x38;
	[tilespmem:$0x12800] =	vst v63  }
0x67: {  	s31 =	simm.s32 $0xE488;
	s1 =	sadd.s32 $0x10, s26  }
0x68: {  	[hbm4b:s1+s3] =	stream.linear.scatter [tilespmem:s31], [sflag:$0x3], $0x80, $0x38;
	[tilespmem:$0x12800] =	vst v63  }
0x69: {  	s28 =	simm.s32 $0xE7B8;
	s25 =	simm.s32 $0xE510;
	s30 =	sadd.s32 $0x20, s26  }
0x6a: {  	[hbm4b:s30+s3] =	stream.linear.scatter [tilespmem:s25], [sflag:$0x3], $0x80, $0x38;
	[tilespmem:$0x12800] =	vst v63  }
0x6b: {  	s0 =	simm.s32 $0x2200;
	s31 =	simm.s32 $0xE598;
	s1 =	sadd.s32 $0x30, s26  }
0x6c: {  	[hbm4b:s1+s3] =	stream.linear.scatter [tilespmem:s31], [sflag:$0x3], $0x80, $0x38;
	[tilespmem:$0x12800] =	vst v63  }
0x6d: {  	s29 =	sadd.s32 $0x70, s26;
	s25 =	simm.s32 $0xE620;
	s30 =	sadd.s32 $0x40, s26  }
0x6e: {  	[hbm4b:s30+s3] =	stream.linear.scatter [tilespmem:s25], [sflag:$0x3], $0x80, $0x38;
	[tilespmem:$0x12800] =	vst v63  }
0x6f: {  	s31 =	simm.s32 $0xE6A8;
	s1 =	sadd.s32 $0x50, s26;
	s30 =	simm.s32 $0xE730  }
0x70: {  	[hbm4b:s1+s3] =	stream.linear.scatter [tilespmem:s31], [sflag:$0x3], $0x80, $0x38;
	[tilespmem:$0x12800] =	vst v63  }
0x71: {  	s25 =	simm.s32 $0x440;
	s31 =	sadd.s32 $0x60, s26;
	s26 =	sadd.s32 $0x1000, s26  }
0x72: {  	[hbm4b:s31+s3] =	stream.linear.scatter [tilespmem:s30], [sflag:$0x3], $0x80, $0x38;
	[tilespmem:$0x12800] =	vst v63  }
.LBB2_5:
0x73: {  	[hbm4b:s29+s3] =	stream.linear.scatter [tilespmem:s28], [sflag:$0x3], $0x80, $0x38;
	[tilespmem:$0x12800] =	vst v63  }
0x74: {  	s28 =	smov.u32 s25;
	s25 =	smov.u32 s0  }
0x75: {  	s30 =	sadd.s32 $0x1100, s0;
	s25 =	sshra.s32 s25, $0x2;
	s29 =	sadd.s32 $0xE400, s28  }
0x76: {  	[hbm4b:s26+s3] =	stream.linear.scatter [tilespmem:s29], [sflag:$0x3], $0x80, $0x38;
	[tilespmem:$0x12800] =	vst v63  }
0x77: {  	p2 =	sne.s32 s0, $0x7700;
	s0 =	sadd.s32 $0xE488, s28;
	s29 =	sadd.s32 $0x10, s26  }
0x78: {  	[hbm4b:s29+s3] =	stream.linear.scatter [tilespmem:s0], [sflag:$0x3], $0x80, $0x38;
	[tilespmem:$0x12800] =	vst v63  }
0x79: {  	s0 =	sadd.s32 $0xE510, s28;
	s29 =	sadd.s32 $0x20, s26  }
0x7a: {  	[hbm4b:s29+s3] =	stream.linear.scatter [tilespmem:s0], [sflag:$0x3], $0x80, $0x38;
	[tilespmem:$0x12800] =	vst v63  }
0x7b: {  	s0 =	sadd.s32 $0xE598, s28;
	s29 =	sadd.s32 $0x30, s26  }
0x7c: {  	[hbm4b:s29+s3] =	stream.linear.scatter [tilespmem:s0], [sflag:$0x3], $0x80, $0x38;
	[tilespmem:$0x12800] =	vst v63  }
0x7d: {  	s0 =	sadd.s32 $0xE620, s28;
	s29 =	sadd.s32 $0x40, s26  }
0x7e: {  	[hbm4b:s29+s3] =	stream.linear.scatter [tilespmem:s0], [sflag:$0x3], $0x80, $0x38;
	[tilespmem:$0x12800] =	vst v63  }
.Ltmp1:
0x7f: {  	s0 =	sadd.s32 $0xE6A8, s28;
	s29 =	sadd.s32 $0x50, s26;
	(pc) =	sbr.rel @p2 .LBB2_5-.Ltmp1, $4  }
0x80: {  	[hbm4b:s29+s3] =	stream.linear.scatter [tilespmem:s0], [sflag:$0x3], $0x80, $0x38;
	[tilespmem:$0x12800] =	vst v63  }
0x81: {  	s0 =	sadd.s32 $0xE730, s28;
	s29 =	sadd.s32 $0x60, s26;
	s28 =	sadd.s32 $0xE7B8, s28  }
0x82: {  	[hbm4b:s29+s3] =	stream.linear.scatter [tilespmem:s0], [sflag:$0x3], $0x80, $0x38;
	[tilespmem:$0x12800] =	vst v63  }
0x83: {  	s29 =	sadd.s32 $0x70, s26;
	s26 =	sadd.s32 $0x1000, s26;
	s0 =	smov.u32 s30  }
0x84: {  	[hbm4b:s29+s3] =	stream.linear.scatter [tilespmem:s28], [sflag:$0x3], $0x80, $0x38;
	[tilespmem:$0x12800] =	vst v63  }
0x85: {  	s0 =	sadd.s32 $0xE400, s25  }
0x86: {  	[hbm4b:s26+s3] =	stream.linear.scatter [tilespmem:s0], [sflag:$0x3], $0x80, $0x38;
	[tilespmem:$0x12800] =	vst v63  }
0x87: {  	s1 =	sadd.s32 $0xE488, s25;
	s28 =	sadd.s32 $0x10, s26  }
0x88: {  	[hbm4b:s28+s3] =	stream.linear.scatter [tilespmem:s1], [sflag:$0x3], $0x80, $0x38;
	[tilespmem:$0x12800] =	vst v63  }
0x89: {  	s1 =	sadd.s32 $0xE510, s25;
	s28 =	sadd.s32 $0x20, s26  }
0x8a: {  	[hbm4b:s28+s3] =	stream.linear.scatter [tilespmem:s1], [sflag:$0x3], $0x80, $0x38;
	[tilespmem:$0x12800] =	vst v63  }
0x8b: {  	s1 =	sadd.s32 $0xE598, s25;
	s28 =	sadd.s32 $0x30, s26  }
0x8c: {  	[hbm4b:s28+s3] =	stream.linear.scatter [tilespmem:s1], [sflag:$0x3], $0x80, $0x38;
	[tilespmem:$0x12800] =	vst v63  }
0x8d: {  	s1 =	sadd.s32 $0xE620, s25;
	s28 =	sadd.s32 $0x40, s26  }
0x8e: {  	[hbm4b:s28+s3] =	stream.linear.scatter [tilespmem:s1], [sflag:$0x3], $0x80, $0x38;
	[tilespmem:$0x12800] =	vst v63  }
0x8f: {  	s1 =	sadd.s32 $0xE6A8, s25;
	s28 =	sadd.s32 $0x50, s26  }
0x90: {  	[hbm4b:s28+s3] =	stream.linear.scatter [tilespmem:s1], [sflag:$0x3], $0x80, $0x38;
	[tilespmem:$0x12800] =	vst v63  }
0x91: {  	s1 =	sadd.s32 $0xE730, s25;
	s28 =	sadd.s32 $0x60, s26  }
0x92: {  	[hbm4b:s28+s3] =	stream.linear.scatter [tilespmem:s1], [sflag:$0x3], $0x80, $0x38;
	[tilespmem:$0x12800] =	vst v63  }
0x93: {  	s25 =	sadd.s32 $0xE7B8, s25;
	s1 =	sadd.s32 $0x70, s26  }
0x94: {  	[hbm4b:s1+s3] =	stream.linear.scatter [tilespmem:s25], [sflag:$0x3], $0x80, $0x38;
	[tilespmem:$0x12800] =	vst v63  }
0x95: {  	_ =	swait.ge [sflag:s17], $0x4000  }
0x96: {  	[sflag:s17] =	ssyncset.done $0x0  }
0x97: {  	s0 =	simm.s32 @!p0 $0x4;
	[sflag:s17] =	ssyncadd.s32 $0xFFFFC000  }
0x98: {  	_ =	swait.ge @!p0 [sflag:s0], $0x2000  }
0x99: {  	[sflag:s0] =	ssyncset.done @!p0 $0x0  }
0x9a: {  	s29 =	simm.s32 $0xA480;
	s25 =	simm.s32 $0x1;
	[sflag:s0] =	ssyncadd.s32 @!p0 $0xFFFFE000  }
0x9b: {  	v4 =	vmov s25;
	v5 =	vld [tilespmem:s29+$0x0]  }
0x9c: {  	v9 =	vand.u32 $0x7F, v4  }
0x9d: {  	v4 =	vadd.s32 v0, v9  }
0x9e: {  	s26 =	simm.s32 $0x0  }
0x9f: {  	v6 =	vmov s26;
	v7 =	vld [tilespmem:s29+$0xFFFFFF80]  }
0xa0: {  	v14 =	vand.u32 $0x7E, v6;
	v5 =	vmul.f32 $8.000000000e+00, v5  }
0xa1: {  	s1 =	simm.s32 $0x3;
	v6 =	vadd.s32 v0, v14;
	s25 =	simm.s32 $0xA580  }
0xa2: {  	v8 =	vld [tilespmem:s25+$0x0];
	[tilespmem:v4+s18+$0x0] =	vst.idx.msk $0xffff, v5;
	v4 =	vmov s1  }
0xa3: {  	v4 =	vand.u32 $0x7F, v4;
	v10 =	vld [tilespmem:s29+$0x10]  }
0xa4: {  	v5 =	vmul.f32 $8.000000000e+00, v7;
	v7 =	vadd.s32 v0, v4  }
0xa5: {  	s26 =	simm.s32 $0x2;
	v11 =	vadd.s32 v1, v9  }
0xa6: {  	v12 =	vld [tilespmem:s25+$0xFFFFFF80];
	[tilespmem:v6+s18+$0x0] =	vst.idx.msk $0xffff, v5;
	v5 =	vmov s26  }
0xa7: {  	v6 =	vmul.f32 $8.000000000e+00, v8;
	v5 =	vand.u32 $0x7E, v5;
	v8 =	vld [tilespmem:s29+$0xFFFFFF90]  }
0xa8: {  	s1 =	simm.s32 $0x5;
	s26 =	simm.s32 $0xA680;
	v13 =	vadd.s32 v0, v5;
	v10 =	vmul.f32 $8.000000000e+00, v10  }
0xa9: {  	v15 =	vld [tilespmem:s26+$0x0];
	[tilespmem:v7+s18+$0x0] =	vst.idx.msk $0xffff, v6;
	v7 =	vadd.s32 v1, v14;
	v6 =	vmov s1  }
0xaa: {  	[tilespmem:v11+s18+$0x0] =	vst.idx.msk $0xffff, v10;
	v6 =	vand.u32 $0x7F, v6;
	v10 =	vld [tilespmem:s25+$0x10]  }
0xab: {  	v11 =	vmul.f32 $8.000000000e+00, v12;
	v12 =	vadd.s32 v0, v6;
	v16 =	vld [tilespmem:s29+$0x20]  }
0xac: {  	v17 =	vadd.s32 v1, v4;
	s1 =	simm.s32 $0x4;
	v8 =	vmul.f32 $8.000000000e+00, v8  }
0xad: {  	v18 =	vadd.s32 v2, v9;
	[tilespmem:v13+s18+$0x0] =	vst.idx.msk $0xffff, v11;
	v11 =	vmov s1;
	v13 =	vld [tilespmem:s26+$0xFFFFFF80]  }
0xae: {  	[tilespmem:v7+s18+$0x0] =	vst.idx.msk $0xffff, v8;
	v7 =	vand.u32 $0x7E, v11;
	v8 =	vmul.f32 $8.000000000e+00, v15;
	v11 =	vld [tilespmem:s25+$0xFFFFFF90]  }
0xaf: {  	s28 =	simm.s32 $0xA780;
	s1 =	simm.s32 $0x7;
	v15 =	vadd.s32 v0, v7;
	v10 =	vmul.f32 $8.000000000e+00, v10;
	v19 =	vld [tilespmem:s29+$0xFFFFFFA0]  }
0xb0: {  	v20 =	vld [tilespmem:s28+$0x0];
	[tilespmem:v12+s18+$0x0] =	vst.idx.msk $0xffff, v8;
	v12 =	vadd.s32 v1, v5;
	v16 =	vmul.f32 $8.000000000e+00, v16;
	v8 =	vmov s1  }
0xb1: {  	[tilespmem:v17+s18+$0x0] =	vst.idx.msk $0xffff, v10;
	v10 =	vadd.s32 v2, v14;
	v8 =	vand.u32 $0x7F, v8;
	v17 =	vld [tilespmem:s26+$0x10]  }
0xb2: {  	v13 =	vmul.f32 $8.000000000e+00, v13;
	[tilespmem:v18+s18+$0x0] =	vst.idx.msk $0xffff, v16;
	v16 =	vadd.s32 v0, v8;
	v18 =	vld [tilespmem:s25+$0x20]  }
0xb3: {  	v21 =	vadd.s32 v1, v6;
	s1 =	simm.s32 $0x6;
	v11 =	vmul.f32 $8.000000000e+00, v11;
	v22 =	vld [tilespmem:s29+$0x30]  }
0xb4: {  	v23 =	vadd.s32 v2, v4;
	[tilespmem:v15+s18+$0x0] =	vst.idx.msk $0xffff, v13;
	v13 =	vmul.f32 $8.000000000e+00, v19;
	v15 =	vld [tilespmem:s28+$0xFFFFFF80];
	v19 =	vmov s1  }
0xb5: {  	v25 =	vadd.s32 v3, v9;
	[tilespmem:v12+s18+$0x0] =	vst.idx.msk $0xffff, v11;
	v12 =	vmul.f32 $8.000000000e+00, v20;
	v24 =	vld [tilespmem:s26+$0xFFFFFF90];
	v9 =	vand.u32 $0x7E, v19  }
0xb6: {  	[tilespmem:v10+s18+$0x0] =	vst.idx.msk $0xffff, v13;
	v10 =	vmul.f32 $8.000000000e+00, v17;
	v11 =	vld [tilespmem:s25+$0xFFFFFFA0];
	v17 =	vadd.s32 v0, v9  }
0xb7: {  	s30 =	simm.s32 $0xA880;
	s1 =	simm.s32 $0x9;
	[tilespmem:v16+s18+$0x0] =	vst.idx.msk $0xffff, v12;
	v20 =	vmul.f32 $8.000000000e+00, v18;
	v12 =	vld [tilespmem:s29+$0xFFFFFFB0];
	v16 =	vadd.s32 v1, v7  }
0xb8: {  	v19 =	vld [tilespmem:s30+$0x0];
	v13 =	vadd.s32 v2, v5;
	v18 =	vmov s1;
	[tilespmem:v21+s18+$0x0] =	vst.idx.msk $0xffff, v10;
	v26 =	vmul.f32 $8.000000000e+00, v22  }
0xb9: {  	v14 =	vadd.s32 v3, v14;
	v10 =	vand.u32 $0x7F, v18;
	v18 =	vld [tilespmem:s28+$0x10];
	v22 =	vmul.f32 $8.000000000e+00, v15;
	[tilespmem:v23+s18+$0x0] =	vst.idx.msk $0xffff, v20  }
0xba: {  	s31 =	simm.s32 $0xA;
	s0 =	simm.s32 $0x8;
	s29 =	simm.s32 $0xA880;
	v20 =	vadd.s32 v0, v10;
	v15 =	vld [tilespmem:s26+$0x20];
	v21 =	vmul.f32 $8.000000000e+00, v24;
	[tilespmem:v25+s18+$0x0] =	vst.idx.msk $0xffff, v26  }
.LBB2_7:
0xbb: {  	p0 =	slt.u32 s31, $0x7E;
	[tilespmem:v17+s18+$0x0] =	vst.idx.msk $0xffff, v22;
	v22 =	vadd.s32 v1, v8;
	v11 =	vmul.f32 $8.000000000e+00, v11;
	v23 =	vld [tilespmem:s25+$0x30]  }
0xbc: {  	v17 =	vmov s0;
	s0 =	smov.u32 s31;
	v24 =	vld [tilespmem:s30+$0xFFFFFF80];
	[tilespmem:v16+s18+$0x0] =	vst.idx.msk $0xffff, v21;
	v21 =	vadd.s32 v2, v6;
	v12 =	vmul.f32 $8.000000000e+00, v12  }
0xbd: {  	v27 =	vadd.s32 v3, v4;
	v4 =	vmovc v6;
	v25 =	vand.u32 $0x7E, v17;
	v16 =	vmul.f32 $8.000000000e+00, v19;
	v26 =	vld [tilespmem:s28+$0xFFFFFF90];
	[tilespmem:v13+s18+$0x0] =	vst.idx.msk $0xffff, v11  }
.Ltmp2:
0xbe: {  	v6 =	vmovc v8;
	v8 =	vmov v10;
	v17 =	vadd.s32 v0, v25;
	v13 =	vmul.f32 $8.000000000e+00, v18;
	v11 =	vld [tilespmem:s26+$0xFFFFFFA0];
	[tilespmem:v14+s18+$0x0] =	vst.idx.msk $0xffff, v12;
	(pc) =	sbr.rel @p0 .LBB2_7-.Ltmp2, $4  }
0xbf: {  	s1 =	sadd.s32 $0x1, s31;
	s30 =	sadd.s32 $0x100, s30;
	[tilespmem:v20+s18+$0x0] =	vst.idx.msk $0xffff, v16;
	v16 =	vadd.s32 v1, v9;
	v14 =	vmul.f32 $8.000000000e+00, v15;
	v12 =	vld [tilespmem:s25+$0xFFFFFFB0];
	s25 =	smov.u32 s26  }
0xc0: {  	v10 =	vmov s1;
	s26 =	smov.u32 s28;
	s28 =	smov.u32 s29;
	s29 =	smov.u32 s30;
	v19 =	vld [tilespmem:s30+$0x0];
	[tilespmem:v22+s18+$0x0] =	vst.idx.msk $0xffff, v13;
	v13 =	vadd.s32 v2, v7;
	v23 =	vmul.f32 $8.000000000e+00, v23  }
0xc1: {  	v10 =	vand.u32 $0x7F, v10;
	v22 =	vmul.f32 $8.000000000e+00, v24;
	v18 =	vld [tilespmem:s28+$0x10];
	[tilespmem:v21+s18+$0x0] =	vst.idx.msk $0xffff, v14;
	v14 =	vadd.s32 v3, v5;
	v5 =	vmovc v7  }
0xc2: {  	s31 =	sadd.s32 $0x2, s31;
	v20 =	vadd.s32 v0, v10;
	v7 =	vmovc v9;
	v9 =	vmov v25;
	v21 =	vmul.f32 $8.000000000e+00, v26;
	v15 =	vld [tilespmem:s26+$0x20];
	[tilespmem:v27+s18+$0x0] =	vst.idx.msk $0xffff, v23  }
0xc3: {  	v23 =	vmov s0;
	v24 =	vld [tilespmem:s30+$0xFFFFFF80]  }
0xc4: {  	v23 =	vand.u32 $0x7E, v23  }
0xc5: {  	v25 =	vadd.s32 v0, v23;
	_ =	sdelay $0x1  }
0xc6: {  	v19 =	vmul.f32 $8.000000000e+00, v19  }
0xc7: {  	[tilespmem:v17+s18+$0x0] =	vst.idx.msk $0xffff, v22;
	v62 =	vmul.f32 $8.000000000e+00, v24  }
0xc8: {  	v22 =	vld [tilespmem:s28+$0xFFFFFF90];
	[tilespmem:v20+s18+$0x0] =	vst.idx.msk $0xffff, v19  }
0xc9: {  	v63 =	vadd.s32 v1, v8;
	v20 =	vld [tilespmem:s29+$0x10];
	[tilespmem:v25+s18+$0x0] =	vst.idx.msk $0xffff, v62  }
0xca: {  	v28 =	vadd.s32 v1, v9;
	v29 =	vld [tilespmem:s29+$0xFFFFFF90]  }
0xcb: {  	v30 =	vadd.s32 v1, v10  }
0xcc: {  	v26 =	vadd.s32 v1, v23;
	v18 =	vmul.f32 $8.000000000e+00, v18  }
0xcd: {  	[tilespmem:v16+s18+$0x0] =	vst.idx.msk $0xffff, v21;
	v31 =	vmul.f32 $8.000000000e+00, v22  }
0xce: {  	v32 =	vld [tilespmem:s26+$0xFFFFFFA0];
	[tilespmem:v63+s18+$0x0] =	vst.idx.msk $0xffff, v18;
	v33 =	vmul.f32 $8.000000000e+00, v20  }
0xcf: {  	v34 =	vadd.s32 v2, v6;
	v35 =	vld [tilespmem:s28+$0x20];
	[tilespmem:v28+s18+$0x0] =	vst.idx.msk $0xffff, v31;
	v36 =	vmul.f32 $8.000000000e+00, v29  }
0xd0: {  	v11 =	vmul.f32 $8.000000000e+00, v11;
	v37 =	vadd.s32 v2, v7;
	v38 =	vld [tilespmem:s28+$0xFFFFFFA0];
	[tilespmem:v30+s18+$0x0] =	vst.idx.msk $0xffff, v33  }
0xd1: {  	v39 =	vadd.s32 v2, v8;
	v12 =	vmul.f32 $8.000000000e+00, v12;
	v40 =	vld [tilespmem:s29+$0x20];
	[tilespmem:v26+s18+$0x0] =	vst.idx.msk $0xffff, v36  }
0xd2: {  	v42 =	vadd.s32 v2, v9;
	[tilespmem:v13+s18+$0x0] =	vst.idx.msk $0xffff, v11;
	v41 =	vmul.f32 $8.000000000e+00, v15;
	v43 =	vld [tilespmem:s29+$0xFFFFFFA0]  }
0xd3: {  	v44 =	vld [tilespmem:s25+$0x30];
	v46 =	vadd.s32 v2, v10;
	[tilespmem:v14+s18+$0x0] =	vst.idx.msk $0xffff, v12;
	v45 =	vmul.f32 $8.000000000e+00, v32  }
0xd4: {  	v49 =	vadd.s32 v2, v23;
	v47 =	vld [tilespmem:s25+$0xFFFFFFB0];
	[tilespmem:v34+s18+$0x0] =	vst.idx.msk $0xffff, v41;
	v48 =	vmul.f32 $8.000000000e+00, v35  }
0xd5: {  	v4 =	vadd.s32 v3, v4;
	[tilespmem:v37+s18+$0x0] =	vst.idx.msk $0xffff, v45;
	v20 =	vld [tilespmem:s26+$0x30];
	v50 =	vmul.f32 $8.000000000e+00, v38  }
0xd6: {  	v5 =	vadd.s32 v3, v5;
	v51 =	vld [tilespmem:s26+$0xFFFFFFB0];
	[tilespmem:v39+s18+$0x0] =	vst.idx.msk $0xffff, v48;
	v52 =	vmul.f32 $8.000000000e+00, v40  }
0xd7: {  	v53 =	vadd.s32 v3, v6;
	v54 =	vld [tilespmem:s28+$0x30];
	[tilespmem:v42+s18+$0x0] =	vst.idx.msk $0xffff, v50;
	v55 =	vmul.f32 $8.000000000e+00, v43  }
0xd8: {  	v57 =	vadd.s32 v3, v7;
	v56 =	vmul.f32 $8.000000000e+00, v44;
	v58 =	vld [tilespmem:s28+$0xFFFFFFB0];
	[tilespmem:v46+s18+$0x0] =	vst.idx.msk $0xffff, v52  }
0xd9: {  	v60 =	vadd.s32 v3, v8;
	v59 =	vmul.f32 $8.000000000e+00, v47;
	v14 =	vld [tilespmem:s29+$0x30];
	[tilespmem:v49+s18+$0x0] =	vst.idx.msk $0xffff, v55  }
0xda: {  	v61 =	vadd.s32 v3, v9;
	[tilespmem:v4+s18+$0x0] =	vst.idx.msk $0xffff, v56;
	v4 =	vmul.f32 $8.000000000e+00, v20;
	v12 =	vld [tilespmem:s29+$0xFFFFFFB0]  }
0xdb: {  	v62 =	vadd.s32 v3, v10;
	[tilespmem:v5+s18+$0x0] =	vst.idx.msk $0xffff, v59;
	v5 =	vmul.f32 $8.000000000e+00, v51  }
0xdc: {  	v63 =	vadd.s32 v3, v23;
	[tilespmem:v53+s18+$0x0] =	vst.idx.msk $0xffff, v4;
	v4 =	vmul.f32 $8.000000000e+00, v54  }
0xdd: {  	[tilespmem:v57+s18+$0x0] =	vst.idx.msk $0xffff, v5;
	v5 =	vmul.f32 $8.000000000e+00, v58  }
0xde: {  	[tilespmem:v60+s18+$0x0] =	vst.idx.msk $0xffff, v4;
	v4 =	vmul.f32 $8.000000000e+00, v14  }
0xdf: {  	[tilespmem:v61+s18+$0x0] =	vst.idx.msk $0xffff, v5;
	v5 =	vmul.f32 $8.000000000e+00, v12  }
0xe0: {  	s0 =	sadd.s32 @!p1 $0x180, s23;
	[tilespmem:v62+s18+$0x0] =	vst.idx.msk $0xffff, v4  }
0xe1: {  	s1 =	simm.s32 @!p1 $0x80;
	s23 =	simm.s32 @!p1 $0xA400;
	s0 =	sand.u32 @!p1 $0xFF80, s0;
	[tilespmem:v63+s18+$0x0] =	vst.idx.msk $0xffff, v5  }
0xe2: {  	[tilespmem:s23], [sflag:$0x2] =	stream.indirect.gather @!p1 [hbm4b:s5+s1], $0x80, s0, s1, $0xb8;
	[tilespmem:$0x12800] =	vst v63  }
0xe3: {  	s26 =	simm.s32 $0x10600;
	s1 =	sadd.s32 s24, s7  }
0xe4: {  	[hbm4b:s1+s3] =	stream.linear.scatter [tilespmem:s26], [sflag:$0x4], $0x80, $0x38;
	[tilespmem:$0x12800] =	vst v63  }
0xe5: {  	s28 =	simm.s32 $0x10688;
	s29 =	sadd.s32 $0x10, s1  }
0xe6: {  	[hbm4b:s29+s3] =	stream.linear.scatter [tilespmem:s28], [sflag:$0x4], $0x80, $0x38;
	[tilespmem:$0x12800] =	vst v63  }
0xe7: {  	s30 =	simm.s32 $0x10710;
	s25 =	simm.s32 $0x10820;
	s31 =	sadd.s32 $0x20, s1  }
0xe8: {  	[hbm4b:s31+s3] =	stream.linear.scatter [tilespmem:s30], [sflag:$0x4], $0x80, $0x38;
	[tilespmem:$0x12800] =	vst v63  }
0xe9: {  	s23 =	simm.s32 $0x10798;
	s0 =	simm.s32 $0x2200;
	s24 =	sadd.s32 $0x30, s1  }
0xea: {  	[hbm4b:s24+s3] =	stream.linear.scatter [tilespmem:s23], [sflag:$0x4], $0x80, $0x38;
	[tilespmem:$0x12800] =	vst v63  }
0xeb: {  	s26 =	sadd.s32 $0x40, s1;
	s28 =	simm.s32 $0x108A8;
	s29 =	sadd.s32 $0x50, s1  }
0xec: {  	[hbm4b:s26+s3] =	stream.linear.scatter [tilespmem:s25], [sflag:$0x4], $0x80, $0x38;
	[tilespmem:$0x12800] =	vst v63  }
0xed: {  	s30 =	simm.s32 $0x10930;
	s31 =	sadd.s32 $0x60, s1;
	s23 =	simm.s32 $0x440  }
0xee: {  	[hbm4b:s29+s3] =	stream.linear.scatter [tilespmem:s28], [sflag:$0x4], $0x80, $0x38;
	[tilespmem:$0x12800] =	vst v63  }
0xef: {  	s24 =	sadd.s32 $0x1000, s1;
	s25 =	simm.s32 $0x109B8;
	s26 =	sadd.s32 $0x70, s1  }
0xf0: {  	[hbm4b:s31+s3] =	stream.linear.scatter [tilespmem:s30], [sflag:$0x4], $0x80, $0x38;
	[tilespmem:$0x12800] =	vst v63  }
.LBB2_9:
0xf1: {  	[hbm4b:s26+s3] =	stream.linear.scatter [tilespmem:s25], [sflag:$0x4], $0x80, $0x38;
	[tilespmem:$0x12800] =	vst v63  }
0xf2: {  	s1 =	smov.u32 s23;
	s23 =	smov.u32 s0  }
0xf3: {  	s28 =	sadd.s32 $0x1100, s0;
	s23 =	sshra.s32 s23, $0x2;
	s25 =	sadd.s32 $0x10600, s1  }
0xf4: {  	[hbm4b:s24+s3] =	stream.linear.scatter [tilespmem:s25], [sflag:$0x4], $0x80, $0x38;
	[tilespmem:$0x12800] =	vst v63  }
0xf5: {  	p0 =	sne.s32 s0, $0x7700;
	s0 =	sadd.s32 $0x10688, s1;
	s25 =	sadd.s32 $0x10, s24  }
0xf6: {  	[hbm4b:s25+s3] =	stream.linear.scatter [tilespmem:s0], [sflag:$0x4], $0x80, $0x38;
	[tilespmem:$0x12800] =	vst v63  }
0xf7: {  	s0 =	sadd.s32 $0x10710, s1;
	s25 =	sadd.s32 $0x20, s24  }
0xf8: {  	[hbm4b:s25+s3] =	stream.linear.scatter [tilespmem:s0], [sflag:$0x4], $0x80, $0x38;
	[tilespmem:$0x12800] =	vst v63  }
0xf9: {  	s0 =	sadd.s32 $0x10798, s1;
	s25 =	sadd.s32 $0x30, s24  }
0xfa: {  	[hbm4b:s25+s3] =	stream.linear.scatter [tilespmem:s0], [sflag:$0x4], $0x80, $0x38;
	[tilespmem:$0x12800] =	vst v63  }
0xfb: {  	s0 =	sadd.s32 $0x10820, s1;
	s25 =	sadd.s32 $0x40, s24  }
0xfc: {  	[hbm4b:s25+s3] =	stream.linear.scatter [tilespmem:s0], [sflag:$0x4], $0x80, $0x38;
	[tilespmem:$0x12800] =	vst v63  }
.Ltmp3:
0xfd: {  	s0 =	sadd.s32 $0x108A8, s1;
	s25 =	sadd.s32 $0x50, s24;
	(pc) =	sbr.rel @p0 .LBB2_9-.Ltmp3, $4  }
0xfe: {  	[hbm4b:s25+s3] =	stream.linear.scatter [tilespmem:s0], [sflag:$0x4], $0x80, $0x38;
	[tilespmem:$0x12800] =	vst v63  }
0xff: {  	s26 =	sadd.s32 $0x70, s24;
	s0 =	sadd.s32 $0x10930, s1;
	s25 =	sadd.s32 $0x60, s24  }
0x100: {  	[hbm4b:s25+s3] =	stream.linear.scatter [tilespmem:s0], [sflag:$0x4], $0x80, $0x38;
	[tilespmem:$0x12800] =	vst v63  }
0x101: {  	s24 =	sadd.s32 $0x1000, s24;
	s25 =	sadd.s32 $0x109B8, s1;
	s0 =	smov.u32 s28  }
0x102: {  	[hbm4b:s26+s3] =	stream.linear.scatter [tilespmem:s25], [sflag:$0x4], $0x80, $0x38;
	[tilespmem:$0x12800] =	vst v63  }
0x103: {  	s0 =	sadd.s32 $0x10600, s23  }
0x104: {  	[hbm4b:s24+s3] =	stream.linear.scatter [tilespmem:s0], [sflag:$0x4], $0x80, $0x38;
	[tilespmem:$0x12800] =	vst v63  }
0x105: {  	s31 =	sadd.s32 $0x10688, s23;
	s1 =	sadd.s32 $0x10, s24  }
0x106: {  	[hbm4b:s1+s3] =	stream.linear.scatter [tilespmem:s31], [sflag:$0x4], $0x80, $0x38;
	[tilespmem:$0x12800] =	vst v63  }
0x107: {  	s25 =	sadd.s32 $0x10710, s23;
	s26 =	sadd.s32 $0x20, s24  }
0x108: {  	[hbm4b:s26+s3] =	stream.linear.scatter [tilespmem:s25], [sflag:$0x4], $0x80, $0x38;
	[tilespmem:$0x12800] =	vst v63  }
0x109: {  	s28 =	sadd.s32 $0x10798, s23;
	s29 =	sadd.s32 $0x30, s24  }
0x10a: {  	[hbm4b:s29+s3] =	stream.linear.scatter [tilespmem:s28], [sflag:$0x4], $0x80, $0x38;
	[tilespmem:$0x12800] =	vst v63  }
0x10b: {  	s30 =	sadd.s32 $0x10820, s23;
	s22 =	sadd.s32 $0x1, s22;
	s31 =	sadd.s32 $0x40, s24  }
0x10c: {  	[hbm4b:s31+s3] =	stream.linear.scatter [tilespmem:s30], [sflag:$0x4], $0x80, $0x38;
	[tilespmem:$0x12800] =	vst v63  }
0x10d: {  	p0 =	sne.s32 s22, $0x64;
	s25 =	sadd.s32 $0x108A8, s23;
	s26 =	sadd.s32 $0x50, s24  }
0x10e: {  	[hbm4b:s26+s3] =	stream.linear.scatter [tilespmem:s25], [sflag:$0x4], $0x80, $0x38;
	[tilespmem:$0x12800] =	vst v63  }
.Ltmp4:
0x10f: {  	_ = 	snop;
	(pc) =	sbr.rel @p0 .LBB2_2-.Ltmp4, $4  }
0x110: {  	s28 =	sadd.s32 $0x10930, s23;
	s29 =	sadd.s32 $0x60, s24  }
0x111: {  	[hbm4b:s29+s3] =	stream.linear.scatter [tilespmem:s28], [sflag:$0x4], $0x80, $0x38;
	[tilespmem:$0x12800] =	vst v63  }
0x112: {  	s30 =	sadd.s32 $0x109B8, s23;
	s31 =	sadd.s32 $0x70, s24  }
0x113: {  	[hbm4b:s31+s3] =	stream.linear.scatter [tilespmem:s30], [sflag:$0x4], $0x80, $0x38;
	[tilespmem:$0x12800] =	vst v63  }
0x114: {  	s21 =	sadd.s32 $0x1, s21  }
0x115: {  	_ =	swait.ge [sflag:s19], $0x2000;
	p0 =	sne.s32 s21, s8  }
.Ltmp5:
0x116: {  	[sflag:s19] =	ssyncset.done $0x0;
	(pc) =	sbr.rel @p0 .LBB2_1-.Ltmp5, $4  }
0x117: {  	[sflag:s19] =	ssyncadd.s32 $0xFFFFE000  }
0x118: {  	_ =	swait.ge [sflag:s20], $0x2000  }
0x119: {  	[sflag:s20] =	ssyncset.done $0x0  }
0x11a: {  	[sflag:s20] =	ssyncadd.s32 $0xFFFFE000  }
0x11b: {  	_ =	sfence.sel $0x180000  }
0x11c: {  	[bflag:$0x0] =	sbarrier.arrive $0xFFFF  }
0x11d: {  	_ =	strace $0x90000047  }
0x11e: {  	s0 =	stileid.u32;
	[bflag:$0x2] =	sbarrier.arrive $0xFFFF  }
0x11f: {  	p0 =	sne.s32 s0, $0x0;
	s0 =	rddreg [dreg:$0x3]  }
0x120: {  	s0 =	sadd.s32 @!p0 $0x100000, s0  }
0x121: {  	[sflag:s0] =	ssyncadd.tile.s32 @!p0 $0x1;
	_ =	shalt  }
.Lfunc_end2:
_tile_overlayer_lowered:
.L_overlay_start_2:
0x122: {  	(tag) =	ssettag $0x2  }
0x123: {  	s0 =	rddreg [dreg:$0x0];
	s2 =	stileid.u32  }
0x124: {  	s1 =	rddreg [dreg:$0x1];
	p0 =	sne.s32 s2, $0x0  }
0x125: {  	s3 =	rddreg [dreg:$0x2];
	[bflag:$0x3] =	sbarrier.arrive $0xFFFF;
	s2 =	simm.s32 @!p0 $0x1C05  }
0x126: {  	[timem:s3], [sflag:s2] =	dma.local @!p0 [hbm:s0], s1  }
0x127: {  	s0 =	simm.s32 @!p0 $0x5  }
0x128: {  	_ =	swait.ge @!p0 [sflag:s0], s1  }
0x129: {  	s1 =	ssub.s32 @!p0 $0x0, s1;
	[sflag:s0] =	ssyncset.done @!p0 $0x0  }
0x12a: {  	[sflag:s0] =	ssyncadd.s32 @!p0 s1  }
0x12b: {  	[bflag:$0x3] =	sbarrier.arrive $0xFFFF  }
0x12c: {  	_ =	shalt  }

</sc_bundles>
